<compile_context>
chip_gen: v7x
topology: tpu7x:2x2x1
jax: 0.10.2.dev20260603
libtpu: 0.0.44.dev20260713+nightly
codegen_flags: <defaults>
</compile_context>

<pallas_src>
import functools

import jax
import jax.numpy as jnp
from jax import lax
from jax.experimental import pallas as pl
from jax.experimental.pallas import tpu as pltpu
from jax.experimental.pallas import tpu_sc as plsc

_IMG = 512.0
_MAX_OUT = 100
_IOU_T = 0.5
_SCORE_T = 0.5
_MIN_AREA = 100.0
_N = 20000
_NPAD = 20480
_NSUB = 16
_PER = _NPAD // _NSUB
_SL = _PER // 16

_mesh = plsc.VectorSubcoreMesh(
    core_axis_name="c", subcore_axis_name="s", num_cores=1
)


_scratch_types = [
    pltpu.VMEM((_PER,), jnp.float32),
    pltpu.VMEM((_PER,), jnp.float32),
    pltpu.VMEM((_PER,), jnp.float32),
    pltpu.VMEM((_PER,), jnp.float32),
    pltpu.VMEM((_PER,), jnp.float32),
    pltpu.VMEM((_PER,), jnp.float32),
    pltpu.VMEM((16,), jnp.float32),
    pltpu.VMEM((_NSUB * 16,), jnp.float32),
    pltpu.VMEM((_MAX_OUT, 16), jnp.float32),
    pltpu.VMEM_SHARED((_NSUB * 16,), jnp.float32),
]


def _sc_nms_body(y1h, x1h, y2h, x2h, sh, outh,
            by1, bx1, by2, bx2, cbuf, sfill, pub, call_, outbuf, shc):
    wid = lax.axis_index("s")
    base = wid * _PER
    li = lax.broadcasted_iota(jnp.int32, (16,), 0)

    pltpu.sync_copy(y1h.at[pl.ds(base, _PER)], by1)
    pltpu.sync_copy(x1h.at[pl.ds(base, _PER)], bx1)
    pltpu.sync_copy(y2h.at[pl.ds(base, _PER)], by2)
    pltpu.sync_copy(x2h.at[pl.ds(base, _PER)], bx2)
    pltpu.sync_copy(sh.at[pl.ds(base, _PER)], sfill)

    def init_j(j, carry):
        sl = pl.ds(j * 16, 16)
        v1 = by1[sl]
        u1 = bx1[sl]
        v2 = by2[sl]
        u2 = bx2[sl]
        sv = sfill[sl]
        hh = v2 - v1
        ww = u2 - u1
        area = hh * ww
        valid = (
            (ww / _IMG <= 1.0)
            & (hh / _IMG <= 1.0)
            & (area > _MIN_AREA)
            & (sv >= _SCORE_T)
        )
        s0 = jnp.where(valid, sv, -1.0)
        sfill[sl] = s0
        cbuf[sl] = jnp.where(s0 > 0.0, s0, (s0 - 1.0) * 0.25)
        return carry

    lax.fori_loop(0, _SL, init_j, 0)

    def round_t(t, carry):
        def amax_j(j, c):
            bv, bi = c
            v = cbuf[pl.ds(j * 16, 16)]
            idxv = j * 16 + li
            take = v > bv
            return (jnp.where(take, v, bv), jnp.where(take, idxv, bi))

        bv, bi = lax.fori_loop(
            0,
            _SL,
            amax_j,
            (
                jnp.full((16,), -1e30, jnp.float32),
                jnp.zeros((16,), jnp.int32),
            ),
        )
        mloc = jnp.max(bv)
        iloc = jnp.min(jnp.where(bv == mloc, bi, jnp.int32(2**30)))
        idxf = jnp.full((16,), iloc, jnp.int32)
        gy1 = plsc.load_gather(by1, [idxf])
        gx1 = plsc.load_gather(bx1, [idxf])
        gy2 = plsc.load_gather(by2, [idxf])
        gx2 = plsc.load_gather(bx2, [idxf])
        rec = jnp.where(li == 0, mloc, 0.0)
        rec = jnp.where(li == 1, gy1, rec)
        rec = jnp.where(li == 2, gx1, rec)
        rec = jnp.where(li == 3, gy2, rec)
        rec = jnp.where(li == 4, gx2, rec)
        pub[...] = rec
        pltpu.sync_copy(pub, shc.at[pl.ds(wid * 16, 16)])
        plsc.subcore_barrier()
        pltpu.sync_copy(shc, call_)
        plsc.subcore_barrier()
        vals = plsc.load_gather(call_, [li * 16])
        m = jnp.max(vals)
        wwin = jnp.min(jnp.where(vals == m, li, jnp.int32(2**30)))
        wv = jnp.full((16,), wwin, jnp.int32)
        wy1 = plsc.load_gather(call_, [wv * 16 + 1])
        wx1 = plsc.load_gather(call_, [wv * 16 + 2])
        wy2 = plsc.load_gather(call_, [wv * 16 + 3])
        wx2 = plsc.load_gather(call_, [wv * 16 + 4])

        def sup_j(j, c):
            sl = pl.ds(j * 16, 16)
            v1 = by1[sl]
            u1 = bx1[sl]
            v2 = by2[sl]
            u2 = bx2[sl]
            iy1 = jnp.maximum(wy1, v1)
            ix1 = jnp.maximum(wx1, u1)
            iy2 = jnp.minimum(wy2, v2)
            ix2 = jnp.minimum(wx2, u2)
            inter = jnp.maximum(iy2 - iy1, 0.0) * jnp.maximum(
                ix2 - ix1, 0.0
            )
            a1 = (wy2 - wy1) * (wx2 - wx1)
            a2 = (v2 - v1) * (u2 - u1)
            union = a1 + a2 - inter
            iou = inter / jnp.maximum(union, 1e-8)
            cv = cbuf[sl]
            sfv = sfill[sl]
            cbuf[sl] = jnp.where(
                (iou > _IOU_T) & (cv > 0.0), (sfv - 1.0) * 0.25, cv
            )
            return c

        lax.fori_loop(0, _SL, sup_j, 0)

        @pl.when(wid == wwin)
        def _():
            plsc.store_scatter(
                cbuf,
                [idxf],
                jnp.full((16,), -1.0, jnp.float32),
                mask=(li == 0),
            )
            plsc.store_scatter(
                sfill,
                [idxf],
                jnp.full((16,), -3.0, jnp.float32),
                mask=(li == 0),
            )

        @pl.when(wid == 0)
        def _():
            sc = jnp.where(m > 0.0, m, 0.0)
            row = jnp.where(li == 0, jnp.clip(wy1, 0.0, _IMG), 0.0)
            row = jnp.where(li == 1, jnp.clip(wx1, 0.0, _IMG), row)
            row = jnp.where(li == 2, jnp.clip(wy2, 0.0, _IMG), row)
            row = jnp.where(li == 3, jnp.clip(wx2, 0.0, _IMG), row)
            row = jnp.where(li == 4, sc, row)
            plsc.store_scatter(
                outbuf, [jnp.full((16,), t, jnp.int32), li], row
            )

        return carry

    lax.fori_loop(0, _MAX_OUT, round_t, 0)

    @pl.when(wid == 0)
    def _():
        pltpu.sync_copy(outbuf, outh)


_sc_nms = pl.kernel(
    _sc_nms_body,
    mesh=_mesh,
    out_type=jax.ShapeDtypeStruct((_MAX_OUT, 16), jnp.float32),
    scratch_types=_scratch_types,
    compiler_params=pltpu.CompilerParams(needs_layout_passes=False),
)


@jax.jit
def kernel(boxes, scores):
    pad = _NPAD - _N
    b = jnp.pad(boxes, ((0, pad), (0, 0)))
    s = jnp.pad(scores, ((0, pad),))
    out = _sc_nms(b[:, 0], b[:, 1], b[:, 2], b[:, 3], s)
    return out[:, :5]

# --- scband reference (transcript-rebuilt; emitter-appended) ---
"""Pipeline reference for scband-patch-attack-defender-34651796144697 (READ-ONLY COPY).

The authoritative reference and input builder live on the scoring server;
editing this copy changes nothing except your own understanding.
"""

import jax, jax.numpy as jnp
import numpy as np

IMG = 512.0
MAX_OUT = 100
IOU_T = 0.5
SCORE_T = 0.5
MIN_AREA = 100.0
N = 20000


def setup_inputs(seed: int = 0) -> dict:
    key = jax.random.key(seed)
    k1, k2, k3, k4 = jax.random.split(key, 4)
    cy = jax.random.uniform(k1, (N,)) * IMG
    cx = jax.random.uniform(k2, (N,)) * IMG
    wh = jax.random.uniform(k3, (N, 2)) * 90.0 + 10.0
    h = wh[:, 0]
    w = wh[:, 1]
    ymin = jnp.clip(cy - h / 2.0, 0.0, IMG)
    xmin = jnp.clip(cx - w / 2.0, 0.0, IMG)
    ymax = jnp.clip(cy + h / 2.0, 0.0, IMG)
    xmax = jnp.clip(cx + w / 2.0, 0.0, IMG)
    boxes = jnp.stack([ymin, xmin, ymax, xmax], axis=1).astype(jnp.float32)
    scores = jax.random.uniform(k4, (N,), dtype=jnp.float32)
    return {"boxes": boxes, "scores": scores}


def _iou_one_vs_all(box, boxes):
    iy1 = jnp.maximum(box[0], boxes[:, 0])
    ix1 = jnp.maximum(box[1], boxes[:, 1])
    iy2 = jnp.minimum(box[2], boxes[:, 2])
    ix2 = jnp.minimum(box[3], boxes[:, 3])
    inter = jnp.maximum(iy2 - iy1, 0.0) * jnp.maximum(ix2 - ix1, 0.0)
    a1 = (box[2] - box[0]) * (box[3] - box[1])
    a2 = (boxes[:, 2] - boxes[:, 0]) * (boxes[:, 3] - boxes[:, 1])
    union = a1 + a2 - inter
    return inter / jnp.maximum(union, 1e-8)


def _nms_keep(bs, ss):
    n = bs.shape[0]
    idxs = jnp.arange(n)

    def body(keep, i):
        iou = _iou_one_vs_all(bs[i], bs)
        suppressed = jnp.any((iou > IOU_T) & keep & (idxs < i))
        newval = jnp.logical_and(jnp.logical_not(suppressed), ss[i] > 0.0)
        keep = keep.at[i].set(newval)
        return keep, None

    keep, _ = jax.lax.scan(body, jnp.zeros((n,), dtype=bool), idxs)
    return keep


def reference(boxes, scores):
    # filter_valid_boxes: size / area / score filtering (as in PatchAttackDefender.filter_valid_boxes)
    h = boxes[:, 2] - boxes[:, 0]
    w = boxes[:, 3] - boxes[:, 1]
    area = h * w
    valid = (w / IMG <= 1.0) & (h / IMG <= 1.0) & (area > MIN_AREA) & (scores >= SCORE_T)
    s = jnp.where(valid, scores, -1.0)
    # _postprocessing: greedy NMS + clip_boxes
    order = jnp.argsort(-s)
    bs = boxes[order]
    ss = s[order]
    keep = _nms_keep(jax.lax.stop_gradient(bs), jax.lax.stop_gradient(ss))
    kept_scores = jnp.where(keep, ss, -1e9)
    topv, topi = jax.lax.top_k(kept_scores, MAX_OUT)
    out_boxes = jnp.clip(bs[topi], 0.0, IMG)
    out_scores = jnp.where(topv > -1e8, topv, 0.0)
    return jnp.concatenate([out_boxes, out_scores[:, None]], axis=1)

if __name__ == "__main__":
    import jax
    _d = setup_inputs()
    print(jax.jit(kernel)(*tuple(_d.values())))

</pallas_src>

<mosaic_0001>
#map = affine_map<(d0, d1) -> (0)>
#map1 = affine_map<(d0, d1) -> (0, 0)>
module attributes {stable_mosaic.version = 14 : i64} {
  func.func @_sc_nms_body(%arg0: i32, %arg1: i32, %arg2: memref<20480xf32, #tpu.memory_space<hbm>>, %arg3: memref<20480xf32, #tpu.memory_space<hbm>>, %arg4: memref<20480xf32, #tpu.memory_space<hbm>>, %arg5: memref<20480xf32, #tpu.memory_space<hbm>>, %arg6: memref<20480xf32, #tpu.memory_space<hbm>>, %arg7: memref<100x16xf32, #tpu.memory_space<hbm>>, %arg8: memref<1280xf32, #tpu.memory_space<vmem>>, %arg9: memref<1280xf32, #tpu.memory_space<vmem>>, %arg10: memref<1280xf32, #tpu.memory_space<vmem>>, %arg11: memref<1280xf32, #tpu.memory_space<vmem>>, %arg12: memref<1280xf32, #tpu.memory_space<vmem>>, %arg13: memref<1280xf32, #tpu.memory_space<vmem>>, %arg14: memref<16xf32, #tpu.memory_space<vmem>>, %arg15: memref<256xf32, #tpu.memory_space<vmem>>, %arg16: memref<100x16xf32, #tpu.memory_space<vmem>>, %arg17: memref<256xf32, #tpu.memory_space<vmem_shared>>) attributes {dimension_semantics = [#tpu.dimension_semantics<core_parallel>, #tpu.dimension_semantics<subcore_parallel>], iteration_bounds = array<i64: 1, 16>, scalar_prefetch = 0 : i64, scratch_operands = 10 : i64, tpu.core_type = #tpu.core_type<sc_vector_subcore>, window_params = [{transform_indices = #map}, {transform_indices = #map}, {transform_indices = #map}, {transform_indices = #map}, {transform_indices = #map}, {transform_indices = #map1}]} {
    %mul3A = arith.constant 1280 : i32
    %mul3A_0 = arith.muli %arg1, %mul3A : i32
    %iota3A = tpu.iota {dimensions = array<i32: 0>} : vector<16xi32>
    "tpu.region"() ({
      %run_scoped3A = tpu.sem_alloc : memref<!tpu.dma_semaphore, #tpu.memory_space<semaphore_mem>>
      %dma_start3A = tpu.memref_slice %arg2[%mul3A_0] : memref<20480xf32, #tpu.memory_space<hbm>> -> memref<1280xf32, #tpu.memory_space<hbm>>
      %dma_start3A_14 = tpu.memref_slice %arg2[%mul3A_0] : memref<20480xf32, #tpu.memory_space<hbm>> -> memref<1280xf32, #tpu.memory_space<hbm>>
      tpu.enqueue_dma source(%dma_start3A_14 : memref<1280xf32, #tpu.memory_space<hbm>>) target(%arg8 : memref<1280xf32, #tpu.memory_space<vmem>>) target_semaphore(%run_scoped3A : memref<!tpu.dma_semaphore, #tpu.memory_space<semaphore_mem>>)
      %dma_wait3A = tpu.memref_slice %arg2[%mul3A_0] : memref<20480xf32, #tpu.memory_space<hbm>> -> memref<1280xf32, #tpu.memory_space<hbm>>
      %dma_wait3A_15 = tpu.memref_slice %arg2[%mul3A_0] : memref<20480xf32, #tpu.memory_space<hbm>> -> memref<1280xf32, #tpu.memory_space<hbm>>
      tpu.wait_dma2 semaphore(%run_scoped3A : memref<!tpu.dma_semaphore, #tpu.memory_space<semaphore_mem>>) src(%dma_wait3A_15 : memref<1280xf32, #tpu.memory_space<hbm>>) dst(%arg8 : memref<1280xf32, #tpu.memory_space<vmem>>)
      tpu.yield
    }) : () -> ()
    "tpu.region"() ({
      %run_scoped3A = tpu.sem_alloc : memref<!tpu.dma_semaphore, #tpu.memory_space<semaphore_mem>>
      %dma_start3A = tpu.memref_slice %arg3[%mul3A_0] : memref<20480xf32, #tpu.memory_space<hbm>> -> memref<1280xf32, #tpu.memory_space<hbm>>
      %dma_start3A_14 = tpu.memref_slice %arg3[%mul3A_0] : memref<20480xf32, #tpu.memory_space<hbm>> -> memref<1280xf32, #tpu.memory_space<hbm>>
      tpu.enqueue_dma source(%dma_start3A_14 : memref<1280xf32, #tpu.memory_space<hbm>>) target(%arg9 : memref<1280xf32, #tpu.memory_space<vmem>>) target_semaphore(%run_scoped3A : memref<!tpu.dma_semaphore, #tpu.memory_space<semaphore_mem>>)
      %dma_wait3A = tpu.memref_slice %arg3[%mul3A_0] : memref<20480xf32, #tpu.memory_space<hbm>> -> memref<1280xf32, #tpu.memory_space<hbm>>
      %dma_wait3A_15 = tpu.memref_slice %arg3[%mul3A_0] : memref<20480xf32, #tpu.memory_space<hbm>> -> memref<1280xf32, #tpu.memory_space<hbm>>
      tpu.wait_dma2 semaphore(%run_scoped3A : memref<!tpu.dma_semaphore, #tpu.memory_space<semaphore_mem>>) src(%dma_wait3A_15 : memref<1280xf32, #tpu.memory_space<hbm>>) dst(%arg9 : memref<1280xf32, #tpu.memory_space<vmem>>)
      tpu.yield
    }) : () -> ()
    "tpu.region"() ({
      %run_scoped3A = tpu.sem_alloc : memref<!tpu.dma_semaphore, #tpu.memory_space<semaphore_mem>>
      %dma_start3A = tpu.memref_slice %arg4[%mul3A_0] : memref<20480xf32, #tpu.memory_space<hbm>> -> memref<1280xf32, #tpu.memory_space<hbm>>
      %dma_start3A_14 = tpu.memref_slice %arg4[%mul3A_0] : memref<20480xf32, #tpu.memory_space<hbm>> -> memref<1280xf32, #tpu.memory_space<hbm>>
      tpu.enqueue_dma source(%dma_start3A_14 : memref<1280xf32, #tpu.memory_space<hbm>>) target(%arg10 : memref<1280xf32, #tpu.memory_space<vmem>>) target_semaphore(%run_scoped3A : memref<!tpu.dma_semaphore, #tpu.memory_space<semaphore_mem>>)
      %dma_wait3A = tpu.memref_slice %arg4[%mul3A_0] : memref<20480xf32, #tpu.memory_space<hbm>> -> memref<1280xf32, #tpu.memory_space<hbm>>
      %dma_wait3A_15 = tpu.memref_slice %arg4[%mul3A_0] : memref<20480xf32, #tpu.memory_space<hbm>> -> memref<1280xf32, #tpu.memory_space<hbm>>
      tpu.wait_dma2 semaphore(%run_scoped3A : memref<!tpu.dma_semaphore, #tpu.memory_space<semaphore_mem>>) src(%dma_wait3A_15 : memref<1280xf32, #tpu.memory_space<hbm>>) dst(%arg10 : memref<1280xf32, #tpu.memory_space<vmem>>)
      tpu.yield
    }) : () -> ()
    "tpu.region"() ({
      %run_scoped3A = tpu.sem_alloc : memref<!tpu.dma_semaphore, #tpu.memory_space<semaphore_mem>>
      %dma_start3A = tpu.memref_slice %arg5[%mul3A_0] : memref<20480xf32, #tpu.memory_space<hbm>> -> memref<1280xf32, #tpu.memory_space<hbm>>
      %dma_start3A_14 = tpu.memref_slice %arg5[%mul3A_0] : memref<20480xf32, #tpu.memory_space<hbm>> -> memref<1280xf32, #tpu.memory_space<hbm>>
      tpu.enqueue_dma source(%dma_start3A_14 : memref<1280xf32, #tpu.memory_space<hbm>>) target(%arg11 : memref<1280xf32, #tpu.memory_space<vmem>>) target_semaphore(%run_scoped3A : memref<!tpu.dma_semaphore, #tpu.memory_space<semaphore_mem>>)
      %dma_wait3A = tpu.memref_slice %arg5[%mul3A_0] : memref<20480xf32, #tpu.memory_space<hbm>> -> memref<1280xf32, #tpu.memory_space<hbm>>
      %dma_wait3A_15 = tpu.memref_slice %arg5[%mul3A_0] : memref<20480xf32, #tpu.memory_space<hbm>> -> memref<1280xf32, #tpu.memory_space<hbm>>
      tpu.wait_dma2 semaphore(%run_scoped3A : memref<!tpu.dma_semaphore, #tpu.memory_space<semaphore_mem>>) src(%dma_wait3A_15 : memref<1280xf32, #tpu.memory_space<hbm>>) dst(%arg11 : memref<1280xf32, #tpu.memory_space<vmem>>)
      tpu.yield
    }) : () -> ()
    "tpu.region"() ({
      %run_scoped3A = tpu.sem_alloc : memref<!tpu.dma_semaphore, #tpu.memory_space<semaphore_mem>>
      %dma_start3A = tpu.memref_slice %arg6[%mul3A_0] : memref<20480xf32, #tpu.memory_space<hbm>> -> memref<1280xf32, #tpu.memory_space<hbm>>
      %dma_start3A_14 = tpu.memref_slice %arg6[%mul3A_0] : memref<20480xf32, #tpu.memory_space<hbm>> -> memref<1280xf32, #tpu.memory_space<hbm>>
      tpu.enqueue_dma source(%dma_start3A_14 : memref<1280xf32, #tpu.memory_space<hbm>>) target(%arg13 : memref<1280xf32, #tpu.memory_space<vmem>>) target_semaphore(%run_scoped3A : memref<!tpu.dma_semaphore, #tpu.memory_space<semaphore_mem>>)
      %dma_wait3A = tpu.memref_slice %arg6[%mul3A_0] : memref<20480xf32, #tpu.memory_space<hbm>> -> memref<1280xf32, #tpu.memory_space<hbm>>
      %dma_wait3A_15 = tpu.memref_slice %arg6[%mul3A_0] : memref<20480xf32, #tpu.memory_space<hbm>> -> memref<1280xf32, #tpu.memory_space<hbm>>
      tpu.wait_dma2 semaphore(%run_scoped3A : memref<!tpu.dma_semaphore, #tpu.memory_space<semaphore_mem>>) src(%dma_wait3A_15 : memref<1280xf32, #tpu.memory_space<hbm>>) dst(%arg13 : memref<1280xf32, #tpu.memory_space<vmem>>)
      tpu.yield
    }) : () -> ()
    %scan3A = arith.constant 0 : i32
    %scan3A_1 = arith.constant 0 : i32
    %scan3A_2 = arith.constant 80 : i32
    %scan3A_3 = arith.addi %scan3A_1, %scan3A_2 : i32
    %scan3A_4 = arith.constant 1 : i32
    scf.for %scan3A_14 = %scan3A_1 to %scan3A_3 step %scan3A_4  : i32 {
      %mul3A_15 = arith.constant 16 : i32
      %mul3A_16 = arith.muli %scan3A_14, %mul3A_15 : i32
      %get3A = arith.index_cast %mul3A_16 : i32 to index
      %get3A_17 = tpu.vector_load %arg8[%get3A] {strides = array<i32>} : memref<1280xf32, #tpu.memory_space<vmem>>, vector<16xf32>,
      %get3A_18 = arith.index_cast %mul3A_16 : i32 to index
      %get3A_19 = tpu.vector_load %arg9[%get3A_18] {strides = array<i32>} : memref<1280xf32, #tpu.memory_space<vmem>>, vector<16xf32>,
      %get3A_20 = arith.index_cast %mul3A_16 : i32 to index
      %get3A_21 = tpu.vector_load %arg10[%get3A_20] {strides = array<i32>} : memref<1280xf32, #tpu.memory_space<vmem>>, vector<16xf32>,
      %get3A_22 = arith.index_cast %mul3A_16 : i32 to index
      %get3A_23 = tpu.vector_load %arg11[%get3A_22] {strides = array<i32>} : memref<1280xf32, #tpu.memory_space<vmem>>, vector<16xf32>,
      %get3A_24 = arith.index_cast %mul3A_16 : i32 to index
      %get3A_25 = tpu.vector_load %arg13[%get3A_24] {strides = array<i32>} : memref<1280xf32, #tpu.memory_space<vmem>>, vector<16xf32>,
      %sub3A = arith.subf %get3A_21, %get3A_17 : vector<16xf32>
      %sub3A_26 = arith.subf %get3A_23, %get3A_19 : vector<16xf32>
      %mul3A_27 = arith.mulf %sub3A, %sub3A_26 : vector<16xf32>
      %div3A = arith.constant 5.120000e+02 : f32
      %div3A_28 = vector.broadcast %div3A : f32 to vector<16xf32>
      %div3A_29 = arith.divf %sub3A_26, %div3A_28 : vector<16xf32>
      %le3A = arith.constant 1.000000e+00 : f32
      %le3A_30 = vector.broadcast %le3A : f32 to vector<16xf32>
      %le3A_31 = arith.cmpf ole, %div3A_29, %le3A_30 : vector<16xf32>
      %div3A_32 = arith.constant 5.120000e+02 : f32
      %div3A_33 = vector.broadcast %div3A_32 : f32 to vector<16xf32>
      %div3A_34 = arith.divf %sub3A, %div3A_33 : vector<16xf32>
      %le3A_35 = arith.constant 1.000000e+00 : f32
      %le3A_36 = vector.broadcast %le3A_35 : f32 to vector<16xf32>
      %le3A_37 = arith.cmpf ole, %div3A_34, %le3A_36 : vector<16xf32>
      %and3A = arith.andi %le3A_31, %le3A_37 : vector<16xi1>
      %gt3A = arith.constant 1.000000e+02 : f32
      %gt3A_38 = vector.broadcast %gt3A : f32 to vector<16xf32>
      %gt3A_39 = arith.cmpf ogt, %mul3A_27, %gt3A_38 : vector<16xf32>
      %and3A_40 = arith.andi %and3A, %gt3A_39 : vector<16xi1>
      %ge3A = arith.constant 5.000000e-01 : f32
      %ge3A_41 = vector.broadcast %ge3A : f32 to vector<16xf32>
      %ge3A_42 = arith.cmpf oge, %get3A_25, %ge3A_41 : vector<16xf32>
      %and3A_43 = arith.andi %and3A_40, %ge3A_42 : vector<16xi1>
      %jit3A = arith.constant -1.000000e+00 : f32
      %broadcast_in_dim3A = vector.broadcast %jit3A : f32 to vector<16xf32>
      %select_n3A = arith.select %and3A_43, %get3A_25, %broadcast_in_dim3A : vector<16xi1>, vector<16xf32>
      %swap3A = arith.index_cast %mul3A_16 : i32 to index
      %swap3A_44 = tpu.vector_load %arg13[%swap3A] {strides = array<i32>} : memref<1280xf32, #tpu.memory_space<vmem>>, vector<16xf32>,
      tpu.vector_store %arg13[%swap3A], %select_n3A {strides = array<i32>} : memref<1280xf32, #tpu.memory_space<vmem>>, vector<16xf32>,
      %gt3A_45 = arith.constant 0.000000e+00 : f32
      %gt3A_46 = vector.broadcast %gt3A_45 : f32 to vector<16xf32>
      %gt3A_47 = arith.cmpf ogt, %select_n3A, %gt3A_46 : vector<16xf32>
      %sub3A_48 = arith.constant 1.000000e+00 : f32
      %sub3A_49 = vector.broadcast %sub3A_48 : f32 to vector<16xf32>
      %sub3A_50 = arith.subf %select_n3A, %sub3A_49 : vector<16xf32>
      %mul3A_51 = arith.constant 2.500000e-01 : f32
      %mul3A_52 = vector.broadcast %mul3A_51 : f32 to vector<16xf32>
      %mul3A_53 = arith.mulf %sub3A_50, %mul3A_52 : vector<16xf32>
      %select_n3A_54 = arith.select %gt3A_47, %select_n3A, %mul3A_53 : vector<16xi1>, vector<16xf32>
      %swap3A_55 = arith.index_cast %mul3A_16 : i32 to index
      %swap3A_56 = tpu.vector_load %arg12[%swap3A_55] {strides = array<i32>} : memref<1280xf32, #tpu.memory_space<vmem>>, vector<16xf32>,
      tpu.vector_store %arg12[%swap3A_55], %select_n3A_54 {strides = array<i32>} : memref<1280xf32, #tpu.memory_space<vmem>>, vector<16xf32>,
    }
    %scan3A_5 = arith.constant 80 : i32
    %scan3A_6 = arith.constant 0 : i32
    %scan3A_7 = arith.constant 0 : i32
    %scan3A_8 = arith.constant 100 : i32
    %scan3A_9 = arith.addi %scan3A_7, %scan3A_8 : i32
    %scan3A_10 = arith.constant 1 : i32
    scf.for %scan3A_14 = %scan3A_7 to %scan3A_9 step %scan3A_10  : i32 {
      %broadcast_in_dim3A = arith.constant -1.000000e+30 : f32
      %broadcast_in_dim3A_15 = vector.broadcast %broadcast_in_dim3A : f32 to vector<16xf32>
      %broadcast_in_dim3A_16 = arith.constant 0 : i32
      %broadcast_in_dim3A_17 = vector.broadcast %broadcast_in_dim3A_16 : i32 to vector<16xi32>
      %scan3A_18 = arith.constant 0 : i32
      %scan3A_19 = arith.constant 80 : i32
      %scan3A_20 = arith.addi %scan3A_18, %scan3A_19 : i32
      %scan3A_21 = arith.constant 1 : i32
      %scan3A_22:2 = scf.for %scan3A_132 = %scan3A_18 to %scan3A_20 step %scan3A_21 iter_args(%scan3A_133 = %broadcast_in_dim3A_15, %scan3A_134 = %broadcast_in_dim3A_17) -> (vector<16xf32>, vector<16xi32>)  : i32 {
        %mul3A_135 = arith.constant 16 : i32
        %mul3A_136 = arith.muli %scan3A_132, %mul3A_135 : i32
        %get3A = arith.index_cast %mul3A_136 : i32 to index
        %get3A_137 = tpu.vector_load %arg12[%get3A] {strides = array<i32>} : memref<1280xf32, #tpu.memory_space<vmem>>, vector<16xf32>,
        %mul3A_138 = arith.constant 16 : i32
        %mul3A_139 = arith.muli %scan3A_132, %mul3A_138 : i32
        %add3A_140 = vector.broadcast %mul3A_139 : i32 to vector<16xi32>
        %add3A_141 = arith.addi %add3A_140, %iota3A : vector<16xi32>
        %gt3A = arith.cmpf ogt, %get3A_137, %scan3A_133 : vector<16xf32>
        %select_n3A_142 = arith.select %gt3A, %get3A_137, %scan3A_133 : vector<16xi1>, vector<16xf32>
        %select_n3A_143 = arith.select %gt3A, %add3A_141, %scan3A_134 : vector<16xi1>, vector<16xi32>
        scf.yield %select_n3A_142, %select_n3A_143 : vector<16xf32>, vector<16xi32>
      }
      %scan3A_23 = arith.constant 80 : i32
      %reduce_max3A = arith.constant true
      %reduce_max3A_24 = vector.broadcast %reduce_max3A : i1 to vector<16xi1>
      %reduce_max3A_25 = tpu.scan <max>, %scan3A_22#0 masked %reduce_max3A_24 : vector<16xf32>, vector<16xi1> -> vector<16xf32>
      %reduce_max3A_26 = vector.extract %reduce_max3A_25[15] : f32 from vector<16xf32>
      %eq3A_27 = vector.broadcast %reduce_max3A_26 : f32 to vector<16xf32>
      %eq3A_28 = arith.cmpf oeq, %scan3A_22#0, %eq3A_27 : vector<16xf32>
      %jit3A = arith.constant 1073741824 : i32
      %broadcast_in_dim3A_29 = vector.broadcast %jit3A : i32 to vector<16xi32>
      %select_n3A = arith.select %eq3A_28, %scan3A_22#1, %broadcast_in_dim3A_29 : vector<16xi1>, vector<16xi32>
      %reduce_min3A = arith.constant true
      %reduce_min3A_30 = vector.broadcast %reduce_min3A : i1 to vector<16xi1>
      %reduce_min3A_31 = arith.constant -2147483648 : i32
      %reduce_min3A_32 = vector.broadcast %reduce_min3A_31 : i32 to vector<16xi32>
      %reduce_min3A_33 = arith.xori %select_n3A, %reduce_min3A_32 : vector<16xi32>
      %reduce_min3A_34 = tpu.scan <min>, %reduce_min3A_33 masked %reduce_min3A_30 : vector<16xi32>, vector<16xi1> -> vector<16xi32>
      %reduce_min3A_35 = arith.xori %reduce_min3A_34, %reduce_min3A_32 : vector<16xi32>
      %reduce_min3A_36 = vector.extract %reduce_min3A_35[15] : i32 from vector<16xi32>
      %broadcast_in_dim3A_37 = vector.broadcast %reduce_min3A_36 : i32 to vector<16xi32>
      %gather3A = tpu.vector_load_idx %arg8[%broadcast_in_dim3A_37] : memref<1280xf32, #tpu.memory_space<vmem>>[vector<16xi32>], vector<16xf32>,
      %gather3A_38 = tpu.vector_load_idx %arg9[%broadcast_in_dim3A_37] : memref<1280xf32, #tpu.memory_space<vmem>>[vector<16xi32>], vector<16xf32>,
      %gather3A_39 = tpu.vector_load_idx %arg10[%broadcast_in_dim3A_37] : memref<1280xf32, #tpu.memory_space<vmem>>[vector<16xi32>], vector<16xf32>,
      %gather3A_40 = tpu.vector_load_idx %arg11[%broadcast_in_dim3A_37] : memref<1280xf32, #tpu.memory_space<vmem>>[vector<16xi32>], vector<16xf32>,
      %eq3A_41 = arith.constant 0 : i32
      %eq3A_42 = vector.broadcast %eq3A_41 : i32 to vector<16xi32>
      %eq3A_43 = arith.cmpi eq, %iota3A, %eq3A_42 : vector<16xi32>
      %jit3A_44 = arith.constant 0.000000e+00 : f32
      %broadcast_in_dim3A_45 = vector.broadcast %reduce_max3A_26 : f32 to vector<16xf32>
      %broadcast_in_dim3A_46 = vector.broadcast %jit3A_44 : f32 to vector<16xf32>
      %select_n3A_47 = arith.select %eq3A_43, %broadcast_in_dim3A_45, %broadcast_in_dim3A_46 : vector<16xi1>, vector<16xf32>
      %eq3A_48 = arith.constant 1 : i32
      %eq3A_49 = vector.broadcast %eq3A_48 : i32 to vector<16xi32>
      %eq3A_50 = arith.cmpi eq, %iota3A, %eq3A_49 : vector<16xi32>
      %select_n3A_51 = arith.select %eq3A_50, %gather3A, %select_n3A_47 : vector<16xi1>, vector<16xf32>
      %eq3A_52 = arith.constant 2 : i32
      %eq3A_53 = vector.broadcast %eq3A_52 : i32 to vector<16xi32>
      %eq3A_54 = arith.cmpi eq, %iota3A, %eq3A_53 : vector<16xi32>
      %select_n3A_55 = arith.select %eq3A_54, %gather3A_38, %select_n3A_51 : vector<16xi1>, vector<16xf32>
      %eq3A_56 = arith.constant 3 : i32
      %eq3A_57 = vector.broadcast %eq3A_56 : i32 to vector<16xi32>
      %eq3A_58 = arith.cmpi eq, %iota3A, %eq3A_57 : vector<16xi32>
      %select_n3A_59 = arith.select %eq3A_58, %gather3A_39, %select_n3A_55 : vector<16xi1>, vector<16xf32>
      %eq3A_60 = arith.constant 4 : i32
      %eq3A_61 = vector.broadcast %eq3A_60 : i32 to vector<16xi32>
      %eq3A_62 = arith.cmpi eq, %iota3A, %eq3A_61 : vector<16xi32>
      %select_n3A_63 = arith.select %eq3A_62, %gather3A_40, %select_n3A_59 : vector<16xi1>, vector<16xf32>
      %swap3A = arith.constant 0 : index
      %swap3A_64 = tpu.vector_load %arg14[%swap3A] {strides = array<i32>} : memref<16xf32, #tpu.memory_space<vmem>>, vector<16xf32>,
      tpu.vector_store %arg14[%swap3A], %select_n3A_63 {strides = array<i32>} : memref<16xf32, #tpu.memory_space<vmem>>, vector<16xf32>,
      %mul3A_65 = arith.constant 16 : i32
      %mul3A_66 = arith.muli %arg1, %mul3A_65 : i32
      "tpu.region"() ({
        %run_scoped3A = tpu.sem_alloc : memref<!tpu.dma_semaphore, #tpu.memory_space<semaphore_mem>>
        %dma_start3A = tpu.memref_slice %arg17[%mul3A_66] : memref<256xf32, #tpu.memory_space<vmem_shared>> -> memref<16xf32, #tpu.memory_space<vmem_shared>>
        %dma_start3A_132 = tpu.memref_slice %arg17[%mul3A_66] : memref<256xf32, #tpu.memory_space<vmem_shared>> -> memref<16xf32, #tpu.memory_space<vmem_shared>>
        tpu.enqueue_dma source(%arg14 : memref<16xf32, #tpu.memory_space<vmem>>) target(%dma_start3A_132 : memref<16xf32, #tpu.memory_space<vmem_shared>>) target_semaphore(%run_scoped3A : memref<!tpu.dma_semaphore, #tpu.memory_space<semaphore_mem>>)
        %dma_wait3A = tpu.memref_slice %arg17[%mul3A_66] : memref<256xf32, #tpu.memory_space<vmem_shared>> -> memref<16xf32, #tpu.memory_space<vmem_shared>>
        %dma_wait3A_133 = tpu.memref_slice %arg17[%mul3A_66] : memref<256xf32, #tpu.memory_space<vmem_shared>> -> memref<16xf32, #tpu.memory_space<vmem_shared>>
        tpu.wait_dma2 semaphore(%run_scoped3A : memref<!tpu.dma_semaphore, #tpu.memory_space<semaphore_mem>>) src(%arg14 : memref<16xf32, #tpu.memory_space<vmem>>) dst(%dma_wait3A_133 : memref<16xf32, #tpu.memory_space<vmem_shared>>)
        tpu.yield
      }) : () -> ()
      %barrier3A = arith.constant 0 : index
      tpu.barrier barrier_id(%barrier3A)
      "tpu.region"() ({
        %run_scoped3A = tpu.sem_alloc : memref<!tpu.dma_semaphore, #tpu.memory_space<semaphore_mem>>
        tpu.enqueue_dma source(%arg17 : memref<256xf32, #tpu.memory_space<vmem_shared>>) target(%arg15 : memref<256xf32, #tpu.memory_space<vmem>>) target_semaphore(%run_scoped3A : memref<!tpu.dma_semaphore, #tpu.memory_space<semaphore_mem>>)
        tpu.wait_dma2 semaphore(%run_scoped3A : memref<!tpu.dma_semaphore, #tpu.memory_space<semaphore_mem>>) src(%arg17 : memref<256xf32, #tpu.memory_space<vmem_shared>>) dst(%arg15 : memref<256xf32, #tpu.memory_space<vmem>>)
        tpu.yield
      }) : () -> ()
      %barrier3A_67 = arith.constant 0 : index
      tpu.barrier barrier_id(%barrier3A_67)
      %mul3A_68 = arith.constant 16 : i32
      %mul3A_69 = vector.broadcast %mul3A_68 : i32 to vector<16xi32>
      %mul3A_70 = arith.muli %iota3A, %mul3A_69 : vector<16xi32>
      %gather3A_71 = tpu.vector_load_idx %arg15[%mul3A_70] : memref<256xf32, #tpu.memory_space<vmem>>[vector<16xi32>], vector<16xf32>,
      %reduce_max3A_72 = arith.constant true
      %reduce_max3A_73 = vector.broadcast %reduce_max3A_72 : i1 to vector<16xi1>
      %reduce_max3A_74 = tpu.scan <max>, %gather3A_71 masked %reduce_max3A_73 : vector<16xf32>, vector<16xi1> -> vector<16xf32>
      %reduce_max3A_75 = vector.extract %reduce_max3A_74[15] : f32 from vector<16xf32>
      %eq3A_76 = vector.broadcast %reduce_max3A_75 : f32 to vector<16xf32>
      %eq3A_77 = arith.cmpf oeq, %gather3A_71, %eq3A_76 : vector<16xf32>
      %jit3A_78 = arith.constant 1073741824 : i32
      %broadcast_in_dim3A_79 = vector.broadcast %jit3A_78 : i32 to vector<16xi32>
      %select_n3A_80 = arith.select %eq3A_77, %iota3A, %broadcast_in_dim3A_79 : vector<16xi1>, vector<16xi32>
      %reduce_min3A_81 = arith.constant true
      %reduce_min3A_82 = vector.broadcast %reduce_min3A_81 : i1 to vector<16xi1>
      %reduce_min3A_83 = arith.constant -2147483648 : i32
      %reduce_min3A_84 = vector.broadcast %reduce_min3A_83 : i32 to vector<16xi32>
      %reduce_min3A_85 = arith.xori %select_n3A_80, %reduce_min3A_84 : vector<16xi32>
      %reduce_min3A_86 = tpu.scan <min>, %reduce_min3A_85 masked %reduce_min3A_82 : vector<16xi32>, vector<16xi1> -> vector<16xi32>
      %reduce_min3A_87 = arith.xori %reduce_min3A_86, %reduce_min3A_84 : vector<16xi32>
      %reduce_min3A_88 = vector.extract %reduce_min3A_87[15] : i32 from vector<16xi32>
      %broadcast_in_dim3A_89 = vector.broadcast %reduce_min3A_88 : i32 to vector<16xi32>
      %mul3A_90 = arith.constant 16 : i32
      %mul3A_91 = vector.broadcast %mul3A_90 : i32 to vector<16xi32>
      %mul3A_92 = arith.muli %broadcast_in_dim3A_89, %mul3A_91 : vector<16xi32>
      %add3A = arith.constant 1 : i32
      %add3A_93 = vector.broadcast %add3A : i32 to vector<16xi32>
      %add3A_94 = arith.addi %mul3A_92, %add3A_93 : vector<16xi32>
      %gather3A_95 = tpu.vector_load_idx %arg15[%add3A_94] : memref<256xf32, #tpu.memory_space<vmem>>[vector<16xi32>], vector<16xf32>,
      %mul3A_96 = arith.constant 16 : i32
      %mul3A_97 = vector.broadcast %mul3A_96 : i32 to vector<16xi32>
      %mul3A_98 = arith.muli %broadcast_in_dim3A_89, %mul3A_97 : vector<16xi32>
      %add3A_99 = arith.constant 2 : i32
      %add3A_100 = vector.broadcast %add3A_99 : i32 to vector<16xi32>
      %add3A_101 = arith.addi %mul3A_98, %add3A_100 : vector<16xi32>
      %gather3A_102 = tpu.vector_load_idx %arg15[%add3A_101] : memref<256xf32, #tpu.memory_space<vmem>>[vector<16xi32>], vector<16xf32>,
      %mul3A_103 = arith.constant 16 : i32
      %mul3A_104 = vector.broadcast %mul3A_103 : i32 to vector<16xi32>
      %mul3A_105 = arith.muli %broadcast_in_dim3A_89, %mul3A_104 : vector<16xi32>
      %add3A_106 = arith.constant 3 : i32
      %add3A_107 = vector.broadcast %add3A_106 : i32 to vector<16xi32>
      %add3A_108 = arith.addi %mul3A_105, %add3A_107 : vector<16xi32>
      %gather3A_109 = tpu.vector_load_idx %arg15[%add3A_108] : memref<256xf32, #tpu.memory_space<vmem>>[vector<16xi32>], vector<16xf32>,
      %mul3A_110 = arith.constant 16 : i32
      %mul3A_111 = vector.broadcast %mul3A_110 : i32 to vector<16xi32>
      %mul3A_112 = arith.muli %broadcast_in_dim3A_89, %mul3A_111 : vector<16xi32>
      %add3A_113 = arith.constant 4 : i32
      %add3A_114 = vector.broadcast %add3A_113 : i32 to vector<16xi32>
      %add3A_115 = arith.addi %mul3A_112, %add3A_114 : vector<16xi32>
      %gather3A_116 = tpu.vector_load_idx %arg15[%add3A_115] : memref<256xf32, #tpu.memory_space<vmem>>[vector<16xi32>], vector<16xf32>,
      %scan3A_117 = arith.constant 0 : i32
      %scan3A_118 = arith.constant 0 : i32
      %scan3A_119 = arith.constant 80 : i32
      %scan3A_120 = arith.addi %scan3A_118, %scan3A_119 : i32
      %scan3A_121 = arith.constant 1 : i32
      scf.for %scan3A_132 = %scan3A_118 to %scan3A_120 step %scan3A_121  : i32 {
        %mul3A_133 = arith.constant 16 : i32
        %mul3A_134 = arith.muli %scan3A_132, %mul3A_133 : i32
        %get3A = arith.index_cast %mul3A_134 : i32 to index
        %get3A_135 = tpu.vector_load %arg8[%get3A] {strides = array<i32>} : memref<1280xf32, #tpu.memory_space<vmem>>, vector<16xf32>,
        %get3A_136 = arith.index_cast %mul3A_134 : i32 to index
        %get3A_137 = tpu.vector_load %arg9[%get3A_136] {strides = array<i32>} : memref<1280xf32, #tpu.memory_space<vmem>>, vector<16xf32>,
        %get3A_138 = arith.index_cast %mul3A_134 : i32 to index
        %get3A_139 = tpu.vector_load %arg10[%get3A_138] {strides = array<i32>} : memref<1280xf32, #tpu.memory_space<vmem>>, vector<16xf32>,
        %get3A_140 = arith.index_cast %mul3A_134 : i32 to index
        %get3A_141 = tpu.vector_load %arg11[%get3A_140] {strides = array<i32>} : memref<1280xf32, #tpu.memory_space<vmem>>, vector<16xf32>,
        %max3A = arith.maximumf %gather3A_95, %get3A_135 : vector<16xf32>
        %max3A_142 = arith.maximumf %gather3A_102, %get3A_137 : vector<16xf32>
        %min3A = arith.minimumf %gather3A_109, %get3A_139 : vector<16xf32>
        %min3A_143 = arith.minimumf %gather3A_116, %get3A_141 : vector<16xf32>
        %sub3A = arith.subf %min3A, %max3A : vector<16xf32>
        %max3A_144 = arith.constant 0.000000e+00 : f32
        %max3A_145 = vector.broadcast %max3A_144 : f32 to vector<16xf32>
        %max3A_146 = arith.maximumf %sub3A, %max3A_145 : vector<16xf32>
        %sub3A_147 = arith.subf %min3A_143, %max3A_142 : vector<16xf32>
        %max3A_148 = arith.constant 0.000000e+00 : f32
        %max3A_149 = vector.broadcast %max3A_148 : f32 to vector<16xf32>
        %max3A_150 = arith.maximumf %sub3A_147, %max3A_149 : vector<16xf32>
        %mul3A_151 = arith.mulf %max3A_146, %max3A_150 : vector<16xf32>
        %sub3A_152 = arith.subf %gather3A_109, %gather3A_95 : vector<16xf32>
        %sub3A_153 = arith.subf %gather3A_116, %gather3A_102 : vector<16xf32>
        %mul3A_154 = arith.mulf %sub3A_152, %sub3A_153 : vector<16xf32>
        %sub3A_155 = arith.subf %get3A_139, %get3A_135 : vector<16xf32>
        %sub3A_156 = arith.subf %get3A_141, %get3A_137 : vector<16xf32>
        %mul3A_157 = arith.mulf %sub3A_155, %sub3A_156 : vector<16xf32>
        %add3A_158 = arith.addf %mul3A_154, %mul3A_157 : vector<16xf32>
        %sub3A_159 = arith.subf %add3A_158, %mul3A_151 : vector<16xf32>
        %max3A_160 = arith.constant 9.99999993E-9 : f32
        %max3A_161 = vector.broadcast %max3A_160 : f32 to vector<16xf32>
        %max3A_162 = arith.maximumf %sub3A_159, %max3A_161 : vector<16xf32>
        %div3A = arith.divf %mul3A_151, %max3A_162 : vector<16xf32>
        %get3A_163 = arith.index_cast %mul3A_134 : i32 to index
        %get3A_164 = tpu.vector_load %arg12[%get3A_163] {strides = array<i32>} : memref<1280xf32, #tpu.memory_space<vmem>>, vector<16xf32>,
        %get3A_165 = arith.index_cast %mul3A_134 : i32 to index
        %get3A_166 = tpu.vector_load %arg13[%get3A_165] {strides = array<i32>} : memref<1280xf32, #tpu.memory_space<vmem>>, vector<16xf32>,
        %gt3A = arith.constant 5.000000e-01 : f32
        %gt3A_167 = vector.broadcast %gt3A : f32 to vector<16xf32>
        %gt3A_168 = arith.cmpf ogt, %div3A, %gt3A_167 : vector<16xf32>
        %gt3A_169 = arith.constant 0.000000e+00 : f32
        %gt3A_170 = vector.broadcast %gt3A_169 : f32 to vector<16xf32>
        %gt3A_171 = arith.cmpf ogt, %get3A_164, %gt3A_170 : vector<16xf32>
        %and3A = arith.andi %gt3A_168, %gt3A_171 : vector<16xi1>
        %sub3A_172 = arith.constant 1.000000e+00 : f32
        %sub3A_173 = vector.broadcast %sub3A_172 : f32 to vector<16xf32>
        %sub3A_174 = arith.subf %get3A_166, %sub3A_173 : vector<16xf32>
        %mul3A_175 = arith.constant 2.500000e-01 : f32
        %mul3A_176 = vector.broadcast %mul3A_175 : f32 to vector<16xf32>
        %mul3A_177 = arith.mulf %sub3A_174, %mul3A_176 : vector<16xf32>
        %select_n3A_178 = arith.select %and3A, %mul3A_177, %get3A_164 : vector<16xi1>, vector<16xf32>
        %swap3A_179 = arith.index_cast %mul3A_134 : i32 to index
        %swap3A_180 = tpu.vector_load %arg12[%swap3A_179] {strides = array<i32>} : memref<1280xf32, #tpu.memory_space<vmem>>, vector<16xf32>,
        tpu.vector_store %arg12[%swap3A_179], %select_n3A_178 {strides = array<i32>} : memref<1280xf32, #tpu.memory_space<vmem>>, vector<16xf32>,
      }
      %scan3A_122 = arith.constant 80 : i32
      %eq3A_123 = arith.cmpi eq, %arg1, %reduce_min3A_88 : i32
      %convert_element_type3A_124 = arith.extui %eq3A_123 : i1 to i32
      %cond3A_125 = arith.constant 0 : i32
      %cond3A_126 = arith.cmpi ne, %convert_element_type3A_124, %cond3A_125 : i32
      scf.if %cond3A_126 {
        %broadcast_in_dim3A_132 = arith.constant -1.000000e+00 : f32
        %broadcast_in_dim3A_133 = vector.broadcast %broadcast_in_dim3A_132 : f32 to vector<16xf32>
        %eq3A_134 = arith.constant 0 : i32
        %eq3A_135 = vector.broadcast %eq3A_134 : i32 to vector<16xi32>
        %eq3A_136 = arith.cmpi eq, %iota3A, %eq3A_135 : vector<16xi32>
        tpu.vector_store_idx %arg12[%broadcast_in_dim3A_37], %broadcast_in_dim3A_133 masked %eq3A_136 : memref<1280xf32, #tpu.memory_space<vmem>>[vector<16xi32>], vector<16xf32>, vector<16xi1>
        %broadcast_in_dim3A_137 = arith.constant -3.000000e+00 : f32
        %broadcast_in_dim3A_138 = vector.broadcast %broadcast_in_dim3A_137 : f32 to vector<16xf32>
        %eq3A_139 = arith.constant 0 : i32
        %eq3A_140 = vector.broadcast %eq3A_139 : i32 to vector<16xi32>
        %eq3A_141 = arith.cmpi eq, %iota3A, %eq3A_140 : vector<16xi32>
        tpu.vector_store_idx %arg13[%broadcast_in_dim3A_37], %broadcast_in_dim3A_138 masked %eq3A_141 : memref<1280xf32, #tpu.memory_space<vmem>>[vector<16xi32>], vector<16xf32>, vector<16xi1>
      } else {
      }
      %eq3A_127 = arith.constant 0 : i32
      %eq3A_128 = arith.cmpi eq, %arg1, %eq3A_127 : i32
      %convert_element_type3A_129 = arith.extui %eq3A_128 : i1 to i32
      %cond3A_130 = arith.constant 0 : i32
      %cond3A_131 = arith.cmpi ne, %convert_element_type3A_129, %cond3A_130 : i32
      scf.if %cond3A_131 {
        %gt3A = arith.constant 0.000000e+00 : f32
        %gt3A_132 = arith.cmpf ogt, %reduce_max3A_75, %gt3A : f32
        %jit3A_133 = arith.constant 0.000000e+00 : f32
        %select_n3A_134 = arith.select %gt3A_132, %reduce_max3A_75, %jit3A_133 : f32
        %eq3A_135 = arith.constant 0 : i32
        %eq3A_136 = vector.broadcast %eq3A_135 : i32 to vector<16xi32>
        %eq3A_137 = arith.cmpi eq, %iota3A, %eq3A_136 : vector<16xi32>
        %jit3A_138 = arith.constant 0.000000e+00 : f32
        %jit3A_139 = arith.constant 5.120000e+02 : f32
        %max3A = vector.broadcast %jit3A_138 : f32 to vector<16xf32>
        %max3A_140 = arith.maximumf %max3A, %gather3A_95 : vector<16xf32>
        %min3A = vector.broadcast %jit3A_139 : f32 to vector<16xf32>
        %min3A_141 = arith.minimumf %min3A, %max3A_140 : vector<16xf32>
        %jit3A_142 = arith.constant 0.000000e+00 : f32
        %broadcast_in_dim3A_143 = vector.broadcast %jit3A_142 : f32 to vector<16xf32>
        %select_n3A_144 = arith.select %eq3A_137, %min3A_141, %broadcast_in_dim3A_143 : vector<16xi1>, vector<16xf32>
        %eq3A_145 = arith.constant 1 : i32
        %eq3A_146 = vector.broadcast %eq3A_145 : i32 to vector<16xi32>
        %eq3A_147 = arith.cmpi eq, %iota3A, %eq3A_146 : vector<16xi32>
        %jit3A_148 = arith.constant 0.000000e+00 : f32
        %jit3A_149 = arith.constant 5.120000e+02 : f32
        %max3A_150 = vector.broadcast %jit3A_148 : f32 to vector<16xf32>
        %max3A_151 = arith.maximumf %max3A_150, %gather3A_102 : vector<16xf32>
        %min3A_152 = vector.broadcast %jit3A_149 : f32 to vector<16xf32>
        %min3A_153 = arith.minimumf %min3A_152, %max3A_151 : vector<16xf32>
        %select_n3A_154 = arith.select %eq3A_147, %min3A_153, %select_n3A_144 : vector<16xi1>, vector<16xf32>
        %eq3A_155 = arith.constant 2 : i32
        %eq3A_156 = vector.broadcast %eq3A_155 : i32 to vector<16xi32>
        %eq3A_157 = arith.cmpi eq, %iota3A, %eq3A_156 : vector<16xi32>
        %jit3A_158 = arith.constant 0.000000e+00 : f32
        %jit3A_159 = arith.constant 5.120000e+02 : f32
        %max3A_160 = vector.broadcast %jit3A_158 : f32 to vector<16xf32>
        %max3A_161 = arith.maximumf %max3A_160, %gather3A_109 : vector<16xf32>
        %min3A_162 = vector.broadcast %jit3A_159 : f32 to vector<16xf32>
        %min3A_163 = arith.minimumf %min3A_162, %max3A_161 : vector<16xf32>
        %select_n3A_164 = arith.select %eq3A_157, %min3A_163, %select_n3A_154 : vector<16xi1>, vector<16xf32>
        %eq3A_165 = arith.constant 3 : i32
        %eq3A_166 = vector.broadcast %eq3A_165 : i32 to vector<16xi32>
        %eq3A_167 = arith.cmpi eq, %iota3A, %eq3A_166 : vector<16xi32>
        %jit3A_168 = arith.constant 0.000000e+00 : f32
        %jit3A_169 = arith.constant 5.120000e+02 : f32
        %max3A_170 = vector.broadcast %jit3A_168 : f32 to vector<16xf32>
        %max3A_171 = arith.maximumf %max3A_170, %gather3A_116 : vector<16xf32>
        %min3A_172 = vector.broadcast %jit3A_169 : f32 to vector<16xf32>
        %min3A_173 = arith.minimumf %min3A_172, %max3A_171 : vector<16xf32>
        %select_n3A_174 = arith.select %eq3A_167, %min3A_173, %select_n3A_164 : vector<16xi1>, vector<16xf32>
        %eq3A_175 = arith.constant 4 : i32
        %eq3A_176 = vector.broadcast %eq3A_175 : i32 to vector<16xi32>
        %eq3A_177 = arith.cmpi eq, %iota3A, %eq3A_176 : vector<16xi32>
        %broadcast_in_dim3A_178 = vector.broadcast %select_n3A_134 : f32 to vector<16xf32>
        %select_n3A_179 = arith.select %eq3A_177, %broadcast_in_dim3A_178, %select_n3A_174 : vector<16xi1>, vector<16xf32>
        %broadcast_in_dim3A_180 = vector.broadcast %scan3A_14 : i32 to vector<16xi32>
        tpu.vector_store_idx %arg16[%broadcast_in_dim3A_180, %iota3A], %select_n3A_179 : memref<100x16xf32, #tpu.memory_space<vmem>>[vector<16xi32>, vector<16xi32>], vector<16xf32>,
      } else {
      }
    }
    %scan3A_11 = arith.constant 100 : i32
    %eq3A = arith.constant 0 : i32
    %eq3A_12 = arith.cmpi eq, %arg1, %eq3A : i32
    %convert_element_type3A = arith.extui %eq3A_12 : i1 to i32
    %cond3A = arith.constant 0 : i32
    %cond3A_13 = arith.cmpi ne, %convert_element_type3A, %cond3A : i32
    scf.if %cond3A_13 {
      "tpu.region"() ({
        %run_scoped3A = tpu.sem_alloc : memref<!tpu.dma_semaphore, #tpu.memory_space<semaphore_mem>>
        tpu.enqueue_dma source(%arg16 : memref<100x16xf32, #tpu.memory_space<vmem>>) target(%arg7 : memref<100x16xf32, #tpu.memory_space<hbm>>) target_semaphore(%run_scoped3A : memref<!tpu.dma_semaphore, #tpu.memory_space<semaphore_mem>>)
        tpu.wait_dma2 semaphore(%run_scoped3A : memref<!tpu.dma_semaphore, #tpu.memory_space<semaphore_mem>>) src(%arg16 : memref<100x16xf32, #tpu.memory_space<vmem>>) dst(%arg7 : memref<100x16xf32, #tpu.memory_space<hbm>>)
        tpu.yield
      }) : () -> ()
    } else {
    }
    return
  }
}

</mosaic_0001>

<sc_bundles>
// kernel: kernel.3.cloned.1.call-start
scs
__scs_entry_jumppad:
0x0: {  	(pc) =	sbr.rel $0x88, $3  }
0x1: {  	(tag) =	ssettag $0x0;
	lr =	simm.s32 $0x1  }
0x2: {  	[smem:$0x3F9F] =	sst lr;
	_ =	strace $0xD0000000  }
0x3: {  	_ = 	snop  }
0x4: {  	_ = 	snop  }
0x5: {  	_ = 	snop  }
0x6: {  	_ = 	snop  }
0x7: {  	_ = 	snop  }
__scs_overlays_trampoline_lowered:
0x8: {  	[smem:$0x3FAE] =	sst s0  }
0x9: {  	[smem:$0x3FAF] =	sst s1  }
0xa: {  	[smem:$0x3FB0] =	sst s2  }
0xb: {  	[smem:$0x3FB1] =	sst s3  }
0xc: {  	[smem:$0x3FB2] =	sst s4  }
0xd: {  	[smem:$0x3FB3] =	sst s5  }
0xe: {  	[smem:$0x3FB4] =	sst s6  }
0xf: {  	[smem:$0x3FB5] =	sst s7  }
0x10: {  	[smem:$0x3FB6] =	sst s8  }
0x11: {  	[smem:$0x3FB7] =	sst s9;
	s0 =	simm.s32 @!p0 $0x0  }
0x12: {  	s1 =	sld [smem:$0x3F9D];
	s0 =	simm.s32 @p0 $0x1  }
0x13: {  	[smem:$0x3FB8] =	sst s0;
	s0 =	simm.s32 @!p1 $0x0  }
0x14: {  	s2 =	sld [smem:$0x3F9C];
	s0 =	simm.s32 @p1 $0x1  }
0x15: {  	[smem:$0x3FB9] =	sst s0;
	s0 =	simm.s32 @!p2 $0x0  }
0x16: {  	s3 =	sld [smem:$0x3FDB];
	s0 =	simm.s32 @p2 $0x1  }
0x17: {  	s4 =	simm.s32 $0x1BF5;
	[smem:$0x3FBB] =	sst s0  }
0x18: {  	s0 =	sld [smem:$0x3F9E];
	_ =	swait.ge [sflag:s4], $0x0  }
0x19: {  	s7 =	sld [smem:$0x3F9F]  }
0x1a: {  	s8 =	sadd.s32 $0xFFFFE003, lr  }
0x1b: {  	s9 =	sadd.s32 $0xFFFFFEF7, lr;
	s5 =	simm.s32 $0xFFFFFFFF;
	p2 =	slt.u32 s8, $0xFFFFF086  }
0x1c: {  	p1 =	slt.u32 s9, $0xF7A;
	s5 =	simm.s32 @!p2 $0x0  }
0x1d: {  	s5 =	simm.s32 @p1 $0x1;
	p0 =	seq.s32 s7, s2  }
0x1e: {  	s7 =	smul.u32 @!p0 $0xF7A, s2;
	p2 =	seq.s32 @!p0 s5, $0x0  }
0x1f: {  	s9 =	smul.u32 $0xF7A, s1;
	s8 =	simm.s32 @!p0 $0x1BF5;
	p2 =	por !p2, p0  }
0x20: {  	[sflag:s8] =	ssyncset.s32 @!p0 $0xFFFFF086;
	s6 =	sadd.s32 @!p0 s3, s7;
	s7 =	simm.s32 @!p0 $0x108  }
0x21: {  	s3 =	sadd.s32 s3, s9;
	s6 =	sadd.s32 @!p0 $0x88, s6;
	s7 =	simm.s32 @p2 $0x1082  }
0x22: {  	[simem:s7], [sflag:s8] =	dma.local @!p0 [hbm:s6], $0xF7A  }
0x23: {  	s9 =	sor.u32 $0xD0000000, s2;
	s6 =	simm.s32 $0x108;
	_ =	swait.ge @!p0 [sflag:s8], $0x0  }
0x24: {  	s3 =	sadd.s32 $0x88, s3;
	s6 =	simm.s32 @!p1 $0x1082;
	[sflag:s4] =	ssyncset.s32 $0xFFFFF086  }
0x25: {  	[simem:s6], [sflag:s4] =	dma.local [hbm:s3], $0xF7A  }
0x26: {  	[smem:$0x3F9F] =	sst s1;
	(tag) =	ssettag s2;
	_ =	strace s9  }
0x27: {  	s1 =	sld [smem:$0x3FAF]  }
0x28: {  	s2 =	sld [smem:$0x3FB0]  }
0x29: {  	s4 =	sld [smem:$0x3FB2]  }
0x2a: {  	p0 =	seq.s32 s5, $0x0;
	s5 =	sld [smem:$0x3FB3]  }
0x2b: {  	s6 =	sld [smem:$0x3FB4]  }
0x2c: {  	s7 =	sld [smem:$0x3FB5]  }
0x2d: {  	s3 =	simm.s32 $0x108;
	s8 =	sld [smem:$0x3FB6]  }
0x2e: {  	s3 =	simm.s32 @!p0 $0x1082;
	s9 =	sld [smem:$0x3FB7]  }
0x2f: {  	lr =	sadd.s32 s0, s3;
	s0 =	sld [smem:$0x3FAE]  }
0x30: {  	s3 =	sld [smem:$0x3FB1]  }
0x31: {  	[smem:$0x3FBA] =	sst s10  }
0x32: {  	s10 =	sld [smem:$0x3FB8];
	_ =	sdelay $0x3  }
0x33: {  	p0 =	seq.s32 s10, $0x1;
	s10 =	sld [smem:$0x3FBA];
	_ =	sdelay $0x3  }
0x34: {  	[smem:$0x3FBA] =	sst s10  }
0x35: {  	s10 =	sld [smem:$0x3FB9];
	_ =	sdelay $0x3  }
0x36: {  	p1 =	seq.s32 s10, $0x1;
	s10 =	sld [smem:$0x3FBA];
	_ =	sdelay $0x3  }
0x37: {  	[smem:$0x3FBA] =	sst s10  }
0x38: {  	s10 =	sld [smem:$0x3FBB]  }
0x39: {  	_ = 	snop;
	(pc) =	sbr.ind lr, $3  }
0x3a: {  	_ = 	snop  }
0x3b: {  	_ = 	snop  }
0x3c: {  	p2 =	seq.s32 s10, $0x1;
	s10 =	sld [smem:$0x3FBA]  }
0x3d: {  	_ =	shalt  }
0x3e: {  	_ =	shalt  }
0x3f: {  	_ =	shalt  }
0x40: {  	_ =	shalt  }
0x41: {  	_ =	shalt  }
0x42: {  	_ =	shalt  }
0x43: {  	_ =	shalt  }
0x44: {  	_ =	shalt  }
0x45: {  	_ =	shalt  }
0x46: {  	_ =	shalt  }
0x47: {  	_ =	shalt  }
0x48: {  	_ =	shalt  }
0x49: {  	_ =	shalt  }
0x4a: {  	_ =	shalt  }
0x4b: {  	_ =	shalt  }
0x4c: {  	_ =	shalt  }
0x4d: {  	_ =	shalt  }
0x4e: {  	_ =	shalt  }
0x4f: {  	_ =	shalt  }
0x50: {  	_ =	shalt  }
0x51: {  	_ =	shalt  }
0x52: {  	_ =	shalt  }
0x53: {  	_ =	shalt  }
0x54: {  	_ =	shalt  }
0x55: {  	_ =	shalt  }
0x56: {  	_ =	shalt  }
0x57: {  	_ =	shalt  }
0x58: {  	_ =	shalt  }
0x59: {  	_ =	shalt  }
0x5a: {  	_ =	shalt  }
0x5b: {  	_ =	shalt  }
0x5c: {  	_ =	shalt  }
0x5d: {  	_ =	shalt  }
0x5e: {  	_ =	shalt  }
0x5f: {  	_ =	shalt  }
0x60: {  	_ =	shalt  }
0x61: {  	_ =	shalt  }
0x62: {  	_ =	shalt  }
0x63: {  	_ =	shalt  }
0x64: {  	_ =	shalt  }
0x65: {  	_ =	shalt  }
0x66: {  	_ =	shalt  }
0x67: {  	_ =	shalt  }
0x68: {  	_ =	shalt  }
0x69: {  	_ =	shalt  }
0x6a: {  	_ =	shalt  }
0x6b: {  	_ =	shalt  }
0x6c: {  	_ =	shalt  }
0x6d: {  	_ =	shalt  }
0x6e: {  	_ =	shalt  }
0x6f: {  	_ =	shalt  }
0x70: {  	_ =	shalt  }
0x71: {  	_ =	shalt  }
0x72: {  	_ =	shalt  }
0x73: {  	_ =	shalt  }
0x74: {  	_ =	shalt  }
0x75: {  	_ =	shalt  }
0x76: {  	_ =	shalt  }
0x77: {  	_ =	shalt  }
0x78: {  	_ =	shalt  }
0x79: {  	_ =	shalt  }
0x7a: {  	_ =	shalt  }
0x7b: {  	_ =	shalt  }
0x7c: {  	_ =	shalt  }
0x7d: {  	_ =	shalt  }
0x7e: {  	_ =	shalt  }
0x7f: {  	_ =	shalt  }
0x80: {  	_ =	shalt  }
0x81: {  	_ =	shalt  }
0x82: {  	_ =	shalt  }
0x83: {  	_ =	shalt  }
0x84: {  	_ =	shalt  }
0x85: {  	_ =	shalt  }
0x86: {  	_ =	shalt  }
0x87: {  	_ =	shalt  }
.Lfunc_end0:
.L_simem_size_0:
called_computation_lowered:
.L_overlay_start_0:
0x88: {  	s0 =	sld [smem:$0x3FD9]  }
0x89: {  	s1 =	sld [smem:$0x3FFE];
	_ =	sdelay $0x3  }
0x8a: {  	s0 =	sadd.s32 s1, s0  }
0x8b: {  	[smem:$0x3FC6] =	sst s0  }
0x8c: {  	_ = 	snop  }
0x8d: {  	(tm) =	ssettm $0x1  }
0x8e: {  	s15 =	sld [smem:$0x3FFB];
	_ =	sdelay $0x3  }
0x8f: {  	_ =	strace s15  }
0x90: {  	s0 =	sld [smem:$0x3FFC];
	_ =	sdelay $0x3  }
0x91: {  	_ =	strace s0  }
0x92: {  	s0 =	sld [smem:$0x3FFD];
	_ =	sdelay $0x3  }
0x93: {  	_ =	strace s0  }
0x94: {  	_ =	strace $0x8FFFFFFF  }
0x95: {  	s16 =	sld [smem:$0x3FDB];
	_ =	sdelay $0x1  }
0x96: {  	s17 =	simm.s32 $_scs_section_size  }
0x97: {  	s2 =	simm.s32 $_size__tile_overlayer_lowered;
	s3 =	simm.s32 $_tile_overlayer_lowered  }
0x98: {  	s20 =	simm.s32 $0x1BFF;
	s19 =	sshll.u32 s3, $0x1;
	s0 =	sadd.s32 s17, s16  }
0x99: {  	s4 =	simm.s32 $0x0;
	s18 =	sshll.u32 s2, $0x1;
	s2 =	sadd.s32 s19, s0  }
0x9a: {  	[timem:s4], [sflag:s20] =	dma.local [hbm:s2], s18  }
0x9b: {  	_ =	swait.ge [sflag:s20], s18  }
0x9c: {  	s1 =	ssub.s32 $0x0, s18;
	[sflag:s20] =	ssyncset.done $0x0  }
0x9d: {  	[sflag:s20] =	ssyncadd.s32 s1;
	_ =	sdelay $0x1  }
0x9e: {  	s21 =	simm.s32 $0x1B8B  }
0x9f: {  	_ =	swait.ge [sflag:s21], $0x1  }
0xa0: {  	[sflag:s21] =	ssyncset.done $0x0  }
0xa1: {  	s23 =	simm.s32 $0x1B8E;
	s22 =	sld [smem:$0x3FFE];
	[sflag:s21] =	ssyncadd.s32 $0xFFFFFFFF  }
0xa2: {  	s24 =	simm.s32 $execute0_lowered;
	[smem:$0x3FD2] =	sst s23  }
0xa3: {  	s2 =	sshll.u32 s24, $0x1;
	_ =	strace $0x80000046;
	[dreg:$0x1] =	wrdreg $0xFFFFFFFF  }
0xa4: {  	s25 =	simm.s32 $_size_execute0_lowered;
	s0 =	sadd.s32 s0, s2;
	[dreg:$0x0] =	wrdreg $0x0  }
0xa5: {  	s2 =	sshll.u32 s25, $0x1;
	[dreg:$0x2] =	wrdreg s0  }
0xa6: {  	[dreg:$0x3] =	wrdreg s2  }
0xa7: {  	[dreg:$0x4] =	wrdreg $0xC0  }
0xa8: {  	_ =	task [dreg:s4], $0x5FFFF  }
0xa9: {  	[dreg:$0x1] =	wrdreg $0xFFFFFFFF  }
0xaa: {  	[dreg:$0x0] =	wrdreg $0x60  }
0xab: {  	[dreg:$0x2] =	wrdreg s22  }
0xac: {  	[dreg:$0x3] =	wrdreg $0x53800  }
0xad: {  	[dreg:$0x4] =	wrdreg $0x9  }
0xae: {  	_ =	task.clear_ibuf [dreg:s4], $0x5FFFF;
	_ =	strace $0x90000046  }
0xaf: {  	s26 =	simm.s32 $0x9;
	_ =	strace $0x80000048  }
0xb0: {  	_ =	swait.ge [sflag:s26], $0x1  }
0xb1: {  	[sflag:s26] =	ssyncadd.s32 $0xFFFFFFFF  }
0xb2: {  	_ =	strace $0x90000048  }
0xb3: {  	_ =	sfence  }
0xb4: {  	s28 =	sld [smem:$0x0];
	_ =	sdelay $0x1  }
0xb5: {  	s29 =	srdreg.scid  }
0xb6: {  	s30 =	sshll.u32 s29, $0xD;
	s31 =	sshrl.u32 s29, $0x2  }
0xb7: {  	s1 =	sand.u32 $0x1, s29;
	s2 =	sand.u32 $0x4000, s30;
	s0 =	sadd.s32 s31, s28  }
0xb8: {  	s1 =	sor.u32 s2, s1;
	s0 =	sshll.u32 s0, $0x11  }
0xb9: {  	s0 =	sor.u32 s0, s1  }
0xba: {  	s0 =	sadd.s32 $0x8F2B, s0  }
0xbb: {  	[sflag:s0] =	ssyncadd.remote.s32 $0x1  }
0xbc: {  	_ =	sfence.sel $0xFFFF  }
0xbd: {  	[dreg:$0x0] =	wrdreg $0xFFFFFFFF;
	(pc) =	sbr.abs _section_cstart, $3  }
0xbe: {  	[dreg:$0x1] =	wrdreg $0xFFFFFFFF  }
0xbf: {  	_ =	task.clear_ibuf [dreg:s4], $0x2FFFF;
	_ =	strace $0x9FFFFFFF  }
0xc0: {  	(tm) =	ssettm $0x7FFFFFFF  }
0xc1: {  	_ =	shalt  }
tec
execute0_lowered:
.L_overlay_start_1:
0x0: {  	(tag) =	ssettag $0x1  }
0x1: {  	s3 =	rddreg [dreg:$0x0]  }
0x2: {  	s1 =	rddreg [dreg:$0x1];
	s4 =	simm.s32 $0x0  }
0x3: {  	[smem:$0x7FF] =	sst s4  }
0x4: {  	s0 =	rddreg [dreg:$0x2];
	v0 =	vimm.f32 $5.120000000e+02;
	_ =	strace $0x80000047  }
0x5: {  	(erf) = vrcp.f32 v0;
	_ =	sdelay $0x3  }
0x6: {  	s2 =	stileid.u32  }
0x7: {  	s5 =	smul.u32 $0xA0, s2;
	_ =	sdelay $0x1  }
0x8: {  	s5 =	sadd.s32 s5, s3  }
0x9: {  	s25 =	simm.s32 $0x1;
	s6 =	sadd.s32 $0x2600, s5  }
0xa: {  	[tilespmem:s4], [sflag:$0x1] =	stream.linear.gather [hbm4b:s6+s4], $0x500, $0x38;
	v0 =	vpop (erf);
	[tilespmem:$0x5390] =	vst v63  }
0xb: {  	_ =	swait.ge [sflag:s25], $0x500  }
0xc: {  	[sflag:s25] =	ssyncset.done $0x0  }
0xd: {  	s8 =	simm.s32 $0x500;
	s7 =	sadd.s32 $0x1200, s5;
	[sflag:s25] =	ssyncadd.s32 $0xFFFFFB00  }
0xe: {  	[tilespmem:s8], [sflag:$0x1] =	stream.linear.gather [hbm4b:s7+s4], $0x500, $0x38;
	[tilespmem:$0x5390] =	vst v63  }
0xf: {  	_ =	swait.ge [sflag:s25], $0x500  }
0x10: {  	[sflag:s25] =	ssyncset.done $0x0  }
0x11: {  	s28 =	simm.s32 $0xA00;
	s26 =	sadd.s32 $0x1C00, s5;
	[sflag:s25] =	ssyncadd.s32 $0xFFFFFB00  }
0x12: {  	[tilespmem:s28], [sflag:$0x1] =	stream.linear.gather [hbm4b:s26+s4], $0x500, $0x38;
	[tilespmem:$0x5390] =	vst v63  }
0x13: {  	_ =	swait.ge [sflag:s25], $0x500  }
0x14: {  	[sflag:s25] =	ssyncset.done $0x0  }
0x15: {  	s30 =	simm.s32 $0xF00;
	s29 =	sadd.s32 $0x800, s5;
	[sflag:s25] =	ssyncadd.s32 $0xFFFFFB00  }
0x16: {  	[tilespmem:s30], [sflag:$0x1] =	stream.linear.gather [hbm4b:s29+s4], $0x500, $0x38;
	[tilespmem:$0x5390] =	vst v63  }
0x17: {  	_ =	swait.ge [sflag:s25], $0x500  }
0x18: {  	[sflag:s25] =	ssyncset.done $0x0  }
0x19: {  	s31 =	simm.s32 $0x1900;
	s5 =	sadd.s32 $0x3000, s5;
	[sflag:s25] =	ssyncadd.s32 $0xFFFFFB00  }
0x1a: {  	[tilespmem:s31], [sflag:$0x1] =	stream.linear.gather [hbm4b:s5+s4], $0x500, $0x38;
	[tilespmem:$0x5390] =	vst v63  }
0x1b: {  	_ =	swait.ge [sflag:s25], $0x500  }
0x1c: {  	[sflag:s25] =	ssyncset.done $0x0  }
0x1d: {  	s4 =	simm.s32 $0x0;
	[sflag:s25] =	ssyncadd.s32 $0xFFFFFB00  }
0x1e: {  	v1 =	vld [tilespmem:s4+$0x0]  }
0x1f: {  	v2 =	vld [tilespmem:s4+$0x500]  }
0x20: {  	v3 =	vld [tilespmem:s4+$0xA00]  }
0x21: {  	v4 =	vld [tilespmem:s4+$0xF00];
	_ =	sdelay $0x4  }
0x22: {  	v1 =	vsub.f32 v3, v1;
	v3 =	vsub.f32 v4, v2;
	_ =	sdelay $0x1  }
0x23: {  	s6 =	simm.s32 $0x10;
	v2 =	vld [tilespmem:s4+$0x1900];
	v4 =	vmul.f32 v3, v0  }
0x24: {  	v5 =	vmul.f32 v1, v0;
	v6 =	vmul.f32 v3, v1;
	v1 =	vld [tilespmem:s6+$0x0]  }
0x25: {  	v3 =	vld [tilespmem:s6+$0x500]  }
0x26: {  	vm0 =	vle.f32 v4, $1.000000000e+00;
	v4 =	vld [tilespmem:s6+$0xA00]  }
0x27: {  	vm1 =	vle.f32 v5, $1.000000000e+00;
	v5 =	vld [tilespmem:s6+$0xF00]  }
0x28: {  	vm0 =	vmand vm1, vm0;
	vm1 =	vgt.f32 v6, $1.000000000e+02  }
0x29: {  	vm0 =	vmand vm1, vm0;
	vm1 =	vge.f32 v2, $5.000000000e-01  }
0x2a: {  	s3 =	sadd.s32 $0x3A00, s3;
	s7 =	simm.s32 $0xC0;
	s5 =	simm.s32 $0x80;
	vm0 =	vmand vm1, vm0  }
.LBB2_1:
0x2b: {  	p0 =	sne.s32 s7, $0x13C0;
	s8 =	sshra.s32 s5, $0x2;
	v6 =	vnsel vm0, $0xBF800000, v2;
	s5 =	smov.u32 s7  }
0x2c: {  	v7 =	vsub.f32 v4, v1;
	v1 =	vld [tilespmem:s8+$0x0];
	v5 =	vsub.f32 v5, v3;
	[tilespmem:s4+$0x1900] =	vst v6;
	vm0 =	vgt.f32 v6, $0.0e+00  }
0x2d: {  	v8 =	vadd.f32 $-1.000000000e+00, v6;
	v2 =	vld [tilespmem:s6+$0x1900]  }
0x2e: {  	v10 =	vmul.f32 v7, v0;
	v3 =	vld [tilespmem:s8+$0x500];
	v9 =	vmul.f32 v5, v0  }
.Ltmp0:
0x2f: {  	v7 =	vmul.f32 v5, v7;
	v8 =	vmul.f32 $2.500000000e-01, v8;
	v4 =	vld [tilespmem:s8+$0xA00];
	(pc) =	sbr.rel @p0 .LBB2_1-.Ltmp0, $4  }
0x30: {  	vm2 =	vle.f32 v10, $1.000000000e+00;
	v5 =	vld [tilespmem:s8+$0xF00];
	vm1 =	vle.f32 v9, $1.000000000e+00  }
0x31: {  	v6 =	vsel vm0, v6, v8;
	vm1 =	vmand vm2, vm1;
	vm2 =	vgt.f32 v7, $1.000000000e+02  }
0x32: {  	vm0 =	vmand vm2, vm1;
	vm1 =	vge.f32 v2, $5.000000000e-01;
	[tilespmem:s4+$0x1400] =	vst v6;
	s4 =	smov.u32 s6;
	s6 =	smov.u32 s8  }
0x33: {  	s7 =	sadd.s32 $0x40, s7;
	vm0 =	vmand vm1, vm0  }
0x34: {  	s12 =	sshra.s32 s5, $0x2;
	v2 =	vnsel vm0, $0xBF800000, v2  }
0x35: {  	v1 =	vsub.f32 v4, v1;
	v6 =	vld [tilespmem:s12+$0x0];
	v3 =	vsub.f32 v5, v3;
	[tilespmem:s4+$0x1900] =	vst v2  }
0x36: {  	v60 =	vld [tilespmem:s6+$0x1900]  }
0x37: {  	v61 =	vld [tilespmem:s12+$0x500];
	v8 =	vmul.f32 v1, v0;
	v7 =	vmul.f32 v3, v0  }
0x38: {  	v9 =	vadd.f32 $-1.000000000e+00, v2;
	v10 =	vld [tilespmem:s12+$0xA00];
	v1 =	vmul.f32 v3, v1  }
0x39: {  	v3 =	vld [tilespmem:s12+$0xF00];
	vm1 =	vle.f32 v8, $1.000000000e+00;
	vm0 =	vle.f32 v7, $1.000000000e+00  }
0x3a: {  	v62 =	vmul.f32 $2.500000000e-01, v9;
	vm0 =	vmand vm1, vm0;
	vm1 =	vgt.f32 v1, $1.000000000e+02  }
0x3b: {  	vm2 =	vgt.f32 v2, $0.0e+00;
	vm0 =	vmand vm1, vm0;
	vm1 =	vge.f32 v60, $5.000000000e-01  }
0x3c: {  	v1 =	vsel vm2, v2, v62;
	vm0 =	vmand vm1, vm0  }
0x3d: {  	[tilespmem:s4+$0x1400] =	vst v1;
	v1 =	vnsel vm0, $0xBF800000, v60  }
0x3e: {  	v2 =	vsub.f32 v10, v6;
	v3 =	vsub.f32 v3, v61;
	[tilespmem:s6+$0x1900] =	vst v1  }
0x3f: {  	v63 =	vld [tilespmem:s12+$0x1900]  }
0x40: {  	v5 =	vmul.f32 v3, v0;
	v0 =	vmul.f32 v2, v0  }
0x41: {  	v2 =	vmul.f32 v3, v2  }
0x42: {  	vm0 =	vle.f32 v5, $1.000000000e+00;
	vm1 =	vle.f32 v0, $1.000000000e+00  }
0x43: {  	vm0 =	vmand vm1, vm0;
	vm1 =	vgt.f32 v2, $1.000000000e+02  }
0x44: {  	vm0 =	vmand vm1, vm0;
	vm1 =	vge.f32 v63, $5.000000000e-01  }
0x45: {  	v0 =	vadd.f32 $-1.000000000e+00, v1;
	vm0 =	vmand vm1, vm0  }
0x46: {  	v2 =	vnsel vm0, $0xBF800000, v63  }
0x47: {  	v0 =	vmul.f32 $2.500000000e-01, v0;
	v3 =	vadd.f32 $-1.000000000e+00, v2  }
.Ltmp1:
0x48: {  	vm0 =	vgt.f32 v1, $0.0e+00;
	(pc) =	sbr.rel .LBB2_3-.Ltmp1, $4  }
0x49: {  	s31 =	sshll.u32 s2, $0x4;
	s5 =	simm.s32 $0x0;
	s7 =	simm.s32 $0xA00;
	vm3 =	vcmask $0xB14;
	v0 =	vsel vm0, v1, v0;
	v3 =	vmul.f32 $2.500000000e-01, v3  }
0x4a: {  	s8 =	simm.s32 $0xF00;
	s9 =	simm.s32 $0x1E00;
	s10 =	simm.s32 $0x1;
	vm4 =	vcmask $0xF14;
	vm2 =	vcmask $0x714;
	vm0 =	vgt.f32 v2, $0.0e+00;
	[tilespmem:s6+$0x1400] =	vst v0  }
0x4b: {  	s11 =	simm.s32 $0x1E80;
	p0 =	sne.s32 s2, $0x0;
	s13 =	simm.s32 $0x0;
	vm1 =	vcmask $0x314;
	v0 =	vlaneseq.u32;
	[tilespmem:s12+$0x1900] =	vst v2;
	v1 =	vsel vm0, v2, v3  }
0x4c: {  	s4 =	sadd.s32 s31, s1;
	s6 =	simm.s32 $0x500;
	vm0 =	vmmov $0x1;
	v2 =	vor.u32 $0x80000000, v0;
	[tilespmem:s12+$0x1400] =	vst v1;
	v1 =	vmul.u32 $0x10, v0;
	s12 =	simm.s32 $0x1F80  }
.LBB2_8:
0x4d: {  	v3 =	vmax.f32 v7, $0.0e+00;
	p1 =	sgt.f32 s14, $0.0e+00  }
0x4e: {  	s15 =	sshll.u32 s13, $0x7;
	v6 =	vmax.f32 v6, $0.0e+00;
	v5 =	vmax.f32 v5, $0.0e+00;
	s13 =	sadd.s32 $0x1, s13;
	v3 =	vmin.f32 v3, $5.120000000e+02  }
0x4f: {  	v63 =	vor.u32 s15, v0;
	v6 =	vmin.f32 v6, $5.120000000e+02;
	v3 =	vnsel vm0, $0x0, v3;
	s14 =	simm.s32 @!p1 $0x0;
	p1 =	seq.s32 s13, $0x64  }
.Ltmp2:
0x50: {  	v4 =	vmax.f32 v4, $0.0e+00;
	v5 =	vmin.f32 v5, $5.120000000e+02;
	v3 =	vsel vm1, v3, v6;
	(pc) =	sbr.rel @p1 .LBB2_9-.Ltmp2, $4  }
0x51: {  	v4 =	vmin.f32 v4, $5.120000000e+02;
	v3 =	vsel vm2, v3, v5  }
0x52: {  	vm5 =	veq.s32 v0, $0x4;
	v3 =	vsel vm3, v3, v4  }
0x53: {  	v3 =	vsel vm5, s14, v3  }
0x54: {  	[tilespmem:v63+s12+$0x0] =	vst.idx.msk $0xffff, v3  }
.LBB2_3:
0x55: {  	s14 =	simm.s32 $0x1400  }
0x56: {  	v4 =	vld [tilespmem:s14+$0x0];
	_ =	sdelay $0x3  }
0x57: {  	v5 =	vimm.f32 $-1.000000020e+30  }
0x58: {  	v3 =	vimm.s32 $0x0;
	v6 =	vor.u32 s5, v0;
	s15 =	simm.s32 $0x1410;
	s14 =	simm.s32 $0x10;
	vm5 =	vgt.f32 v4, v5  }
.LBB2_4:
0x59: {  	p1 =	sne.s32 s14, $0x4F0;
	v5 =	vsel vm5, v4, v5;
	v4 =	vld [tilespmem:s15+$0x0];
	v3 =	vsel vm5, v6, v3;
	s16 =	smov.u32 s14;
	s14 =	sadd.s32 $0x10, s14  }
.Ltmp3:
0x5a: {  	(pc) =	sbr.rel @p1 .LBB2_4-.Ltmp3, $2  }
0x5b: {  	_ =	sdelay $0x2  }
0x5c: {  	s15 =	sadd.s32 $0x10, s15;
	v6 =	vor.u32 s16, v0;
	vm5 =	vgt.f32 v4, v5  }
0x5d: {  	v4 =	vsel vm5, v4, v5  }
0x5e: {  	(xrf0) =	vmax.scan.msk.f32 $0xffff, v4;
	_ =	sdelay $0x5  }
0x5f: {  	v5, _, _ =	vpop (xrf0)  }
0x60: {  	v5 =	vbroadcast v5, $0xF  }
0x61: {  	v3 =	vsel vm5, v6, v3  }
0x62: {  	v3 =	vxor.u32 $0x80000000, v3;
	vm5 =	veq.f32 v4, v5  }
0x63: {  	v3 =	vnsel vm5, $0xC0000000, v3  }
0x64: {  	(xrf0) =	vmin.scan.msk.u32 $0xffff, v3;
	_ =	sdelay $0x5  }
0x65: {  	v3, _, _ =	vpop (xrf0)  }
0x66: {  	(v2sf) =	vpush v3, $0xF;
	_ =	sdelay $0xe  }
0x67: {  	s14 =	spop (v2sf)  }
0x68: {  	s14 =	sxor.u32 $0x80000000, s14  }
0x69: {  	v3 =	vmov s14;
	_ =	sdelay $0x3  }
0x6a: {  	s30 =	simm.s32 $0x0  }
0x6b: {  	v4 =	vld.idx.msk [tilespmem:v3+s30+$0x0], $0xffff  }
0x6c: {  	v6 =	vld.idx.msk [tilespmem:v3+s6+$0x0], $0xffff  }
0x6d: {  	v7 =	vld.idx.msk [tilespmem:v3+s7+$0x0], $0xffff  }
0x6e: {  	v8 =	vld.idx.msk [tilespmem:v3+s8+$0x0], $0xffff  }
0x6f: {  	v5 =	vnsel vm0, $0x0, v5  }
0x70: {  	v4 =	vsel vm1, v5, v4  }
0x71: {  	v4 =	vsel vm2, v4, v6  }
0x72: {  	v4 =	vsel vm3, v4, v7  }
0x73: {  	v4 =	vsel vm4, v4, v8  }
0x74: {  	[tilespmem:$0x1E00] =	vst v4  }
0x75: {  	[spmem:s4] =	stream.linear.scatter [tilespmem:s9], [sflag:$0x1], $0x10, $0x38;
	[tilespmem:$0x5390] =	vst v63  }
0x76: {  	_ =	swait.ge [sflag:s10], $0x10  }
0x77: {  	[sflag:s10] =	ssyncset.done $0x0  }
0x78: {  	[sflag:s10] =	ssyncadd.s32 $0xFFFFFFF0  }
0x79: {  	[bflag:$0x0] =	sbarrier.arrive $0xFFFF  }
0x7a: {  	[tilespmem:s11], [sflag:$0x1] =	stream.linear.gather [spmem:s1], $0x100, $0x38;
	[tilespmem:$0x5390] =	vst v63  }
0x7b: {  	_ =	swait.ge [sflag:s10], $0x100  }
0x7c: {  	[sflag:s10] =	ssyncset.done $0x0  }
0x7d: {  	[sflag:s10] =	ssyncadd.s32 $0xFFFFFF00  }
0x7e: {  	[bflag:$0x0] =	sbarrier.arrive $0xFFFF  }
0x7f: {  	v4 =	vld.idx.msk [tilespmem:v1+s11+$0x0], $0xffff;
	_ =	sdelay $0x4  }
0x80: {  	(xrf0) =	vmax.scan.msk.f32 $0xffff, v4;
	_ =	sdelay $0x5  }
0x81: {  	v8, _, _ =	vpop (xrf0)  }
0x82: {  	v5 =	vbroadcast v8, $0xF;
	_ =	sdelay $0x1  }
0x83: {  	vm5 =	veq.f32 v4, v5  }
0x84: {  	v4 =	vnsel vm5, $0xC0000000, v2  }
0x85: {  	(xrf0) =	vmin.scan.msk.u32 $0xffff, v4;
	_ =	sdelay $0x5  }
0x86: {  	v4, _, _ =	vpop (xrf0)  }
0x87: {  	(v2sf) =	vpush v4, $0xF;
	_ =	sdelay $0xe  }
0x88: {  	s18 =	spop (v2sf)  }
0x89: {  	s31 =	sshll.u32 s18, $0x4  }
0x8a: {  	v4 =	vmov s31  }
0x8b: {  	v5 =	vor.u32 $0x1, v4  }
0x8c: {  	v6 =	vor.u32 $0x2, v4  }
0x8d: {  	s16 =	simm.s32 $0x0;
	v9 =	vor.u32 $0x3, v4  }
0x8e: {  	v10 =	vld [tilespmem:s16+$0x500];
	v4 =	vor.u32 $0x4, v4  }
0x8f: {  	v11 =	vld [tilespmem:s16+$0xA00]  }
0x90: {  	v7 =	vld.idx.msk [tilespmem:v5+s11+$0x0], $0xffff  }
0x91: {  	v6 =	vld.idx.msk [tilespmem:v6+s11+$0x0], $0xffff  }
0x92: {  	v5 =	vld.idx.msk [tilespmem:v9+s11+$0x0], $0xffff  }
0x93: {  	v4 =	vld.idx.msk [tilespmem:v4+s11+$0x0], $0xffff  }
0x94: {  	v9 =	vld [tilespmem:s16+$0x0]  }
0x95: {  	v12 =	vld [tilespmem:s16+$0xF00];
	_ =	sdelay $0x2  }
0x96: {  	v13 =	vsub.f32 v5, v7;
	v14 =	vsub.f32 v4, v6  }
0x97: {  	v15 =	vmax.f32 v7, v9;
	v16 =	vmax.f32 v6, v10;
	v17 =	vmin.f32 v5, v11  }
0x98: {  	s14 =	simm.s32 $0x10;
	v18 =	vmin.f32 v4, v12;
	v11 =	vsub.f32 v11, v9;
	v10 =	vsub.f32 v12, v10  }
0x99: {  	v19 =	vld [tilespmem:s14+$0x0];
	v12 =	vsub.f32 v17, v15;
	v16 =	vsub.f32 v18, v16  }
0x9a: {  	v15 =	vld [tilespmem:s14+$0x500];
	v9 =	vmul.f32 v14, v13;
	v10 =	vmul.f32 v10, v11  }
0x9b: {  	v13 =	vld [tilespmem:s14+$0xA00];
	v11 =	vmax.f32 v12, $0.0e+00;
	v14 =	vmax.f32 v16, $0.0e+00  }
0x9c: {  	v12 =	vld [tilespmem:s14+$0xF00];
	v16 =	vmul.f32 v14, v11;
	v10 =	vadd.f32 v10, v9;
	_ =	sdelay $0x1  }
0x9d: {  	v10 =	vsub.f32 v10, v16  }
0x9e: {  	v11 =	vmax.f32 v7, v19;
	v14 =	vmax.f32 v6, v15  }
0x9f: {  	s15 =	simm.s32 $0x20;
	v20 =	vld [tilespmem:s16+$0x1900];
	v17 =	vmin.f32 v5, v13;
	v13 =	vsub.f32 v13, v19;
	v10 =	vmax.f32 v10, $9.999999930e-09  }
0xa0: {  	v19 =	vld [tilespmem:s15+$0x0];
	v18 =	vmin.f32 v4, v12;
	v12 =	vsub.f32 v12, v15;
	(erf) = vrcp.f32 v10  }
0xa1: {  	v15 =	vld [tilespmem:s15+$0x500];
	v10 =	vsub.f32 v17, v11;
	v11 =	vsub.f32 v18, v14  }
0xa2: {  	v14 =	vld [tilespmem:s15+$0xA00];
	v12 =	vmul.f32 v12, v13  }
0xa3: {  	v17 =	vld [tilespmem:s15+$0xF00];
	v10 =	vmax.f32 v10, $0.0e+00;
	v11 =	vmax.f32 v11, $0.0e+00  }
0xa4: {  	v10 =	vmul.f32 v11, v10;
	v11 =	vadd.f32 v12, v9;
	_ =	sdelay $0x1  }
0xa5: {  	v20 =	vadd.f32 $-1.000000000e+00, v20;
	v13 =	vld [tilespmem:s16+$0x1400];
	v11 =	vsub.f32 v11, v10  }
0xa6: {  	v12 =	vmax.f32 v7, v19;
	v18 =	vmax.f32 v6, v15;
	v21 =	vmin.f32 v5, v14  }
0xa7: {  	s17 =	simm.s32 $0x30;
	v22 =	vmin.f32 v4, v17;
	v19 =	vsub.f32 v14, v19;
	v14 =	vld [tilespmem:s14+$0x1900];
	v23 =	vmax.f32 v11, $9.999999930e-09  }
0xa8: {  	v17 =	vsub.f32 v17, v15;
	v21 =	vsub.f32 v21, v12;
	v12 =	vld [tilespmem:s17+$0x500];
	v15 =	vpop (erf);
	(erf) = vrcp.f32 v23  }
0xa9: {  	v22 =	vsub.f32 v22, v18;
	v11 =	vld [tilespmem:s17+$0x0];
	v23 =	vmul.f32 v15, v16  }
0xaa: {  	vm6 =	vgt.f32 v13, $0.0e+00;
	v19 =	vmul.f32 v17, v19;
	v17 =	vmul.f32 $2.500000000e-01, v20;
	v15 =	vld [tilespmem:s17+$0xA00]  }
0xab: {  	s19 =	simm.s32 $0x100;
	s18 =	sxor.u32 $0x80000000, s18;
	v18 =	vmax.f32 v21, $0.0e+00;
	v20 =	vmax.f32 v22, $0.0e+00;
	v16 =	vld [tilespmem:s17+$0xF00];
	vm5 =	vgt.f32 v23, $5.000000000e-01  }
.LBB2_6:
0xac: {  	p1 =	sne.s32 s19, $0x13C0;
	v18 =	vmul.f32 v20, v18;
	v19 =	vadd.f32 v19, v9;
	vm5 =	vmand vm6, vm5  }
0xad: {  	v13 =	vsel vm5, v17, v13  }
0xae: {  	v20 =	vadd.f32 $-1.000000000e+00, v14;
	v17 =	vsub.f32 v19, v18;
	[tilespmem:s16+$0x1400] =	vst v13;
	s16 =	smov.u32 s14;
	s14 =	smov.u32 s15;
	s15 =	smov.u32 s17  }
0xaf: {  	v19 =	vmax.f32 v7, v11;
	v21 =	vmax.f32 v6, v12;
	v22 =	vmin.f32 v5, v15;
	v13 =	vld [tilespmem:s16+$0x1400]  }
.Ltmp4:
0xb0: {  	s17 =	sshra.s32 s19, $0x2;
	v24 =	vsub.f32 v15, v11;
	v23 =	vmin.f32 v4, v16;
	v25 =	vmax.f32 v17, $9.999999930e-09;
	v14 =	vld [tilespmem:s14+$0x1900];
	(pc) =	sbr.rel @p1 .LBB2_6-.Ltmp4, $4  }
0xb1: {  	v17 =	vsub.f32 v22, v19;
	v16 =	vsub.f32 v16, v12;
	v11 =	vld [tilespmem:s17+$0x0];
	(erf) = vrcp.f32 v25;
	v15 =	vpop (erf)  }
0xb2: {  	v21 =	vsub.f32 v23, v21;
	v12 =	vld [tilespmem:s17+$0x500];
	v22 =	vmul.f32 v15, v10;
	v10 =	vmov v18  }
0xb3: {  	v18 =	vmax.f32 v17, $0.0e+00;
	v19 =	vmul.f32 v16, v24;
	v17 =	vmul.f32 $2.500000000e-01, v20;
	v15 =	vld [tilespmem:s17+$0xA00]  }
0xb4: {  	s19 =	sadd.s32 $0x40, s19;
	v20 =	vmax.f32 v21, $0.0e+00;
	v16 =	vld [tilespmem:s17+$0xF00];
	vm5 =	vgt.f32 v22, $5.000000000e-01;
	vm6 =	vgt.f32 v13, $0.0e+00  }
0xb5: {  	v18 =	vmul.f32 v20, v18;
	v19 =	vadd.f32 v19, v9;
	vm5 =	vmand vm6, vm5  }
0xb6: {  	v13 =	vsel vm5, v17, v13  }
0xb7: {  	v14 =	vadd.f32 $-1.000000000e+00, v14;
	v47 =	vsub.f32 v19, v18;
	[tilespmem:s16+$0x1400] =	vst v13  }
0xb8: {  	v48 =	vmax.f32 v7, v11;
	v49 =	vmax.f32 v6, v12;
	v50 =	vmin.f32 v5, v15;
	v21 =	vld [tilespmem:s14+$0x1400]  }
0xb9: {  	v51 =	vsub.f32 v15, v11;
	v22 =	vmin.f32 v4, v16;
	v52 =	vmax.f32 v47, $9.999999930e-09  }
0xba: {  	v13 =	vsub.f32 v50, v48;
	v53 =	vsub.f32 v16, v12;
	(erf) = vrcp.f32 v52;
	v54 =	vpop (erf)  }
0xbb: {  	v55 =	vsub.f32 v22, v49;
	v10 =	vmul.f32 v54, v10  }
0xbc: {  	v56 =	vmul.f32 $2.500000000e-01, v14;
	v13 =	vmax.f32 v13, $0.0e+00;
	v11 =	vmul.f32 v53, v51  }
0xbd: {  	v57 =	vmax.f32 v55, $0.0e+00;
	vm5 =	vgt.f32 v10, $5.000000000e-01;
	vm6 =	vgt.f32 v21, $0.0e+00  }
0xbe: {  	v58 =	vmul.f32 v57, v13;
	v59 =	vadd.f32 v11, v9;
	vm5 =	vmand vm6, vm5  }
0xbf: {  	v60 =	vld [tilespmem:s15+$0x1900];
	v12 =	vsel vm5, v56, v21  }
0xc0: {  	v9 =	vsub.f32 v59, v58;
	[tilespmem:s14+$0x1400] =	vst v12  }
0xc1: {  	v12 =	vld [tilespmem:s15+$0x1400]  }
0xc2: {  	v9 =	vmax.f32 v9, $9.999999930e-09  }
0xc3: {  	(erf) = vrcp.f32 v9;
	v61 =	vpop (erf)  }
0xc4: {  	v11 =	vadd.f32 $-1.000000000e+00, v60;
	v9 =	vmul.f32 v61, v18  }
0xc5: {  	(v2sf) =	vpush v8, $0xF  }
0xc6: {  	v8 =	vmul.f32 $2.500000000e-01, v11;
	vm5 =	vgt.f32 v9, $5.000000000e-01;
	vm6 =	vgt.f32 v12, $0.0e+00  }
0xc7: {  	vm5 =	vmand vm6, vm5  }
0xc8: {  	v62 =	vld [tilespmem:s17+$0x1900];
	v8 =	vsel vm5, v8, v12  }
0xc9: {  	[tilespmem:s15+$0x1400] =	vst v8  }
0xca: {  	v8 =	vld [tilespmem:s17+$0x1400];
	_ =	sdelay $0x1  }
0xcb: {  	v63 =	vpop (erf)  }
0xcc: {  	v9 =	vadd.f32 $-1.000000000e+00, v62;
	v10 =	vmul.f32 v63, v58;
	_ =	sdelay $0x1  }
0xcd: {  	v9 =	vmul.f32 $2.500000000e-01, v9;
	vm5 =	vgt.f32 v10, $5.000000000e-01;
	vm6 =	vgt.f32 v8, $0.0e+00  }
.Ltmp5:
0xce: {  	vm5 =	vmand vm6, vm5;
	(pc) =	sbr.rel @!p0 .LBB2_8-.Ltmp5, $4  }
0xcf: {  	p1 =	sne.s32 s2, s18;
	v8 =	vsel vm5, v9, v8  }
0xd0: {  	s14 =	simm.s32 @!p1 $0x1400;
	[tilespmem:s17+$0x1400] =	vst v8;
	v8 =	vimm.f32 @!p1 $-1.000000000e+00  }
0xd1: {  	s15 =	simm.s32 @!p1 $0x1900;
	[tilespmem:v3+s14+$0x0] =	vst.idx.msk @!p1 $0x1, v8;
	v8 =	vimm.f32 @!p1 $-3.000000000e+00  }
0xd2: {  	s14 =	spop (v2sf);
	[tilespmem:v3+s15+$0x0] =	vst.idx.msk @!p1 $0x1, v8  }
0xd3: {  	s13 =	sadd.s32 $0x1, s13  }
0xd4: {  	p1 =	seq.s32 s13, $0x64  }
.Ltmp6:
0xd5: {  	_ = 	snop;
	(pc) =	sbr.rel @!p1 .LBB2_3-.Ltmp6, $4  }
.Ltmp7:
0xd6: {  	_ = 	snop;
	(pc) =	sbr.rel @p1 .LBB2_10-.Ltmp7, $4  }
0xd7: {  	_ = 	snop  }
0xd8: {  	_ = 	snop  }
0xd9: {  	_ = 	snop  }
0xda: {  	_ = 	snop  }
.LBB2_9:
0xdb: {  	s1 =	simm.s32 $0x0;
	s2 =	simm.s32 $0x1F80;
	s31 =	simm.s32 $0x1  }
0xdc: {  	[hbm4b:s3+s1] =	stream.linear.scatter [tilespmem:s2], [sflag:$0x1], $0x3200, $0x38;
	[tilespmem:$0x5390] =	vst v63  }
0xdd: {  	_ =	swait.ge [sflag:s31], $0x3200  }
0xde: {  	[sflag:s31] =	ssyncset.done $0x0  }
0xdf: {  	[sflag:s31] =	ssyncadd.s32 $0xFFFFCE00  }
.LBB2_10:
0xe0: {  	_ =	sfence.sel $0x180000  }
0xe1: {  	[bflag:$0x0] =	sbarrier.arrive $0xFFFF  }
0xe2: {  	_ =	strace $0x90000047  }
0xe3: {  	s0 =	sadd.s32 @!p0 $0x100000, s0;
	[bflag:$0x2] =	sbarrier.arrive $0xFFFF  }
0xe4: {  	[sflag:s0] =	ssyncadd.tile.s32 @!p0 $0x1;
	_ =	shalt  }
.Lfunc_end2:
_tile_overlayer_lowered:
.L_overlay_start_2:
0xe5: {  	(tag) =	ssettag $0x2  }
0xe6: {  	s0 =	rddreg [dreg:$0x0];
	s2 =	stileid.u32  }
0xe7: {  	s1 =	rddreg [dreg:$0x1];
	p0 =	sne.s32 s2, $0x0  }
0xe8: {  	s3 =	rddreg [dreg:$0x2];
	[bflag:$0x3] =	sbarrier.arrive $0xFFFF;
	s2 =	simm.s32 @!p0 $0x1C01  }
0xe9: {  	[timem:s3], [sflag:s2] =	dma.local @!p0 [hbm:s0], s1  }
0xea: {  	s0 =	simm.s32 @!p0 $0x1  }
0xeb: {  	_ =	swait.ge @!p0 [sflag:s0], s1  }
0xec: {  	s1 =	ssub.s32 @!p0 $0x0, s1;
	[sflag:s0] =	ssyncset.done @!p0 $0x0  }
0xed: {  	[sflag:s0] =	ssyncadd.s32 @!p0 s1  }
0xee: {  	[bflag:$0x3] =	sbarrier.arrive $0xFFFF  }
0xef: {  	_ =	shalt  }

</sc_bundles>
